<compile_context>
chip_gen: v7x
topology: tpu7x:2x2x1
jax: 0.10.2.dev20260603
libtpu: 0.0.44.dev20260713+nightly
codegen_flags: <defaults>
</compile_context>

<pallas_src>
import functools

import jax
import jax.numpy as jnp
from jax import lax
from jax.experimental import pallas as pl
from jax.experimental.pallas import tpu as pltpu
from jax.experimental.pallas import tpu_sc as plsc

N = 10000
E = 320000
D = 128
H = 128

NC = 2
NS = 16
NW = NC * NS

CHUNK = 125
ROWS_PER_TILE = N // NS
K = 128
NLOADS = 78
NEXTRA = (E - NW * NLOADS * K) // K
NB = 3
IB = 6
NG = NLOADS // IB


def _sc_scatter_body(efeat_hbm, ei_hbm, out_hbm,
                     acc_sh, idx_v, buf0, buf1, buf2,
                     sem_l0, sem_l1, sem_l2, sem_s0, sem_s1, sem_s2, sem_i):
    c = lax.axis_index("c")
    s = lax.axis_index("s")
    wid = s * NC + c
    e_base = wid * (NLOADS * K)
    bufs = (buf0, buf1, buf2)
    sem_l = (sem_l0, sem_l1, sem_l2)
    sem_s = (sem_s0, sem_s1, sem_s2)

    def load(j, b):
        pltpu.async_copy(efeat_hbm.at[pl.ds(e_base + j * K, K)],
                         bufs[b], sem_l[b])

    def wait_load(b):
        pltpu.make_async_copy(efeat_hbm.at[pl.ds(e_base, K)],
                              bufs[b], sem_l[b]).wait()

    def idx_ref(g, i):
        return idx_v.at[g % 2, pl.ds(i * K, K)]

    def load_idx(g):
        pltpu.async_copy(ei_hbm.at[1, pl.ds(e_base + g * IB * K, IB * K)],
                         idx_v.at[g % 2], sem_i)

    def scatter_start(b, g, i):
        pltpu.async_copy(bufs[b], acc_sh.at[idx_ref(g, i)],
                         sem_s[b], add=True)

    def wait_scatter(b, g, i):
        pltpu.make_async_copy(bufs[b], acc_sh.at[idx_ref(g, i)],
                              sem_s[b]).wait()

    load(0, 0)
    load(1, 1)
    pltpu.async_copy(ei_hbm.at[1, pl.ds(e_base, IB * K)], idx_v.at[0], sem_i)

    zvec = jnp.zeros((16,), jnp.float32)

    def zrow(i, carry):
        r = i // (D // 16)
        q = i % (D // 16)
        buf2[r, pl.ds(q * 16, 16)] = zvec
        return carry

    lax.fori_loop(0, CHUNK * (D // 16), zrow, 0)
    r0 = s * ROWS_PER_TILE
    for p in range(ROWS_PER_TILE // CHUNK):
        pltpu.sync_copy(buf2.at[pl.ds(0, CHUNK)],
                        acc_sh.at[pl.ds(r0 + p * CHUNK, CHUNK)])
    pltpu.make_async_copy(ei_hbm.at[1, pl.ds(e_base, IB * K)],
                          idx_v.at[0], sem_i).wait()
    plsc.subcore_barrier()

    def outer(g, carry):
        @pl.when(g >= 1)
        def _():
            pltpu.make_async_copy(ei_hbm.at[1, pl.ds(e_base, IB * K)],
                                  idx_v.at[g % 2], sem_i).wait()

        for i in range(IB):
            j = IB * g + i
            b = i % NB
            t = (b + 2) % NB
            wait_load(b)
            scatter_start(b, g, i)

            @pl.when((j >= 1) & (j < NLOADS - 2))
            def _():
                wait_scatter(t, g, i)

            @pl.when(j < NLOADS - 2)
            def _():
                load(j + 2, t)

            if i == 0:
                @pl.when(g < NG - 1)
                def _():
                    load_idx(g + 1)
        return carry

    lax.fori_loop(0, NG, outer, 0)
    for b in range(NB):
        wait_scatter(b, 0, 0)

    @pl.when(wid < NEXTRA)
    def _():
        e0 = NW * NLOADS * K + wid * K
        pltpu.sync_copy(efeat_hbm.at[pl.ds(e0, K)], buf0)
        pltpu.sync_copy(ei_hbm.at[1, pl.ds(e0, K)],
                        idx_v.at[0, pl.ds(0, K)])
        pltpu.async_copy(buf0, acc_sh.at[idx_v.at[0, pl.ds(0, K)]],
                         sem_s0, add=True).wait()

    plsc.subcore_barrier()

    o0 = c * N + s * ROWS_PER_TILE
    pltpu.sync_copy(acc_sh.at[pl.ds(s * ROWS_PER_TILE, ROWS_PER_TILE)],
                    out_hbm.at[pl.ds(o0, ROWS_PER_TILE)])


@functools.cache
def _sc_scatter():
    return pl.kernel(
        _sc_scatter_body,
        out_type=jax.ShapeDtypeStruct((NC * N, D), jnp.float32),
        mesh=plsc.VectorSubcoreMesh(core_axis_name="c", subcore_axis_name="s",
                                    num_cores=NC, num_subcores=NS),
        scratch_types=[
            pltpu.VMEM_SHARED((N, D), jnp.float32),
            pltpu.VMEM((2, IB * K), jnp.int32),
            pltpu.VMEM((K, D), jnp.float32),
            pltpu.VMEM((K, D), jnp.float32),
            pltpu.VMEM((K, D), jnp.float32),
            pltpu.SemaphoreType.DMA,
            pltpu.SemaphoreType.DMA,
            pltpu.SemaphoreType.DMA,
            pltpu.SemaphoreType.DMA,
            pltpu.SemaphoreType.DMA,
            pltpu.SemaphoreType.DMA,
            pltpu.SemaphoreType.DMA,
        ],
        compiler_params=pltpu.CompilerParams(use_tc_tiling_on_sc=False),
    )


def _mlp_body(part_ref, nfeat_ref, w1a_ref, w1b_ref, b1_ref, w2_ref, b2_ref,
              gamma_ref, beta_ref, out_ref):
    agg = part_ref[0] + part_ref[1]
    x = nfeat_ref[...]
    h = (jnp.dot(agg, w1a_ref[...], preferred_element_type=jnp.float32)
         + jnp.dot(x, w1b_ref[...], preferred_element_type=jnp.float32)
         + b1_ref[...])
    h = h * jax.nn.sigmoid(h)
    h2 = jnp.dot(h, w2_ref[...], preferred_element_type=jnp.float32) + b2_ref[...]
    mean = jnp.mean(h2, axis=-1, keepdims=True)
    zc = h2 - mean
    var = jnp.mean(zc * zc, axis=-1, keepdims=True)
    out_ref[...] = (zc * lax.rsqrt(var + 1e-5) * gamma_ref[...]
                    + beta_ref[...] + x)


def _mlp(parts3, nfeat, w1a, w1b, b1, w2, b2, gamma, beta, block_rows=5000):
    grid = (N // block_rows,)
    return pl.pallas_call(
        _mlp_body,
        grid=grid,
        in_specs=[
            pl.BlockSpec((NC, block_rows, D), lambda i: (0, i, 0)),
            pl.BlockSpec((block_rows, D), lambda i: (i, 0)),
            pl.BlockSpec((D, H), lambda i: (0, 0)),
            pl.BlockSpec((D, H), lambda i: (0, 0)),
            pl.BlockSpec((1, H), lambda i: (0, 0)),
            pl.BlockSpec((H, D), lambda i: (0, 0)),
            pl.BlockSpec((1, D), lambda i: (0, 0)),
            pl.BlockSpec((1, D), lambda i: (0, 0)),
            pl.BlockSpec((1, D), lambda i: (0, 0)),
        ],
        out_specs=pl.BlockSpec((block_rows, D), lambda i: (i, 0)),
        out_shape=jax.ShapeDtypeStruct((N, D), jnp.float32),
    )(parts3, nfeat, w1a, w1b, b1, w2, b2, gamma, beta)


def kernel(efeat, nfeat, edge_index, W1, b1, W2, b2, gamma, beta):
    parts = _sc_scatter()(efeat, edge_index)
    parts3 = parts.reshape(NC, N, D)
    return _mlp(parts3, nfeat, W1[:D], W1[D:], b1.reshape(1, H),
                W2, b2.reshape(1, D), gamma.reshape(1, D), beta.reshape(1, D))

# --- scband reference (transcript-rebuilt; emitter-appended) ---
"""Pipeline reference for scband-node-block-89163521065282 (READ-ONLY COPY).

The authoritative reference and input builder live on the scoring server;
editing this copy changes nothing except your own understanding.
"""

import jax, jax.numpy as jnp
import numpy as np

N = 10000
E = 320000
D = 128   # input_dim_nodes == input_dim_edges == output_dim
H = 128   # hidden_dim


def setup_inputs(seed: int = 0) -> dict:
    key = jax.random.key(seed)
    ks = jax.random.split(key, 10)
    efeat = jax.random.normal(ks[0], (E, D), dtype=jnp.float32)
    nfeat = jax.random.normal(ks[1], (N, D), dtype=jnp.float32)
    edge_index = jax.random.randint(ks[2], (2, E), 0, N, dtype=jnp.int32)
    # MeshGraphMLP params: Linear(2D->H), SiLU, Linear(H->D), LayerNorm(D)
    W1 = jax.random.normal(ks[3], (2 * D, H), dtype=jnp.float32) * (1.0 / np.sqrt(2 * D))
    b1 = jnp.zeros((H,), dtype=jnp.float32)
    W2 = jax.random.normal(ks[4], (H, D), dtype=jnp.float32) * (1.0 / np.sqrt(H))
    b2 = jnp.zeros((D,), dtype=jnp.float32)
    gamma = jnp.ones((D,), dtype=jnp.float32)
    beta = jnp.zeros((D,), dtype=jnp.float32)
    return {"efeat": efeat, "nfeat": nfeat, "edge_index": edge_index,
            "W1": W1, "b1": b1, "W2": W2, "b2": b2, "gamma": gamma, "beta": beta}


def reference(efeat, nfeat, edge_index, W1, b1, W2, b2, gamma, beta):
    # aggregate_and_concat: scatter-sum edge features onto destination nodes, concat with node features
    dst = edge_index[1]
    agg = jax.ops.segment_sum(efeat, dst, num_segments=N)
    cat_feat = jnp.concatenate([agg, nfeat], axis=-1)
    # MeshGraphMLP: Linear -> SiLU -> Linear -> LayerNorm
    h = jax.nn.silu(cat_feat @ W1 + b1)
    h = h @ W2 + b2
    mean = jnp.mean(h, axis=-1, keepdims=True)
    var = jnp.var(h, axis=-1, keepdims=True)
    h = (h - mean) / jnp.sqrt(var + 1e-5) * gamma + beta
    # residual update of node features at level_out
    nfeat_out = h + nfeat
    return nfeat_out

if __name__ == "__main__":
    import jax
    _d = setup_inputs()
    print(jax.jit(kernel)(*tuple(_d.values())))

</pallas_src>

<mosaic_0001>
#map = affine_map<(d0, d1) -> (0, 0)>
module attributes {stable_mosaic.version = 14 : i64} {
  func.func @_sc_scatter_body(%arg0: i32, %arg1: i32, %arg2: memref<320000x128xf32, #tpu.memory_space<hbm>>, %arg3: memref<2x320000xi32, #tpu.memory_space<hbm>>, %arg4: memref<20000x128xf32, #tpu.memory_space<hbm>>, %arg5: memref<10000x128xf32, #tpu.memory_space<vmem_shared>>, %arg6: memref<2x768xi32, #tpu.memory_space<vmem>>, %arg7: memref<128x128xf32, #tpu.memory_space<vmem>>, %arg8: memref<128x128xf32, #tpu.memory_space<vmem>>, %arg9: memref<128x128xf32, #tpu.memory_space<vmem>>, %arg10: memref<!tpu.dma_semaphore, #tpu.memory_space<semaphore_mem>>, %arg11: memref<!tpu.dma_semaphore, #tpu.memory_space<semaphore_mem>>, %arg12: memref<!tpu.dma_semaphore, #tpu.memory_space<semaphore_mem>>, %arg13: memref<!tpu.dma_semaphore, #tpu.memory_space<semaphore_mem>>, %arg14: memref<!tpu.dma_semaphore, #tpu.memory_space<semaphore_mem>>, %arg15: memref<!tpu.dma_semaphore, #tpu.memory_space<semaphore_mem>>, %arg16: memref<!tpu.dma_semaphore, #tpu.memory_space<semaphore_mem>>) attributes {dimension_semantics = [#tpu.dimension_semantics<core_parallel>, #tpu.dimension_semantics<subcore_parallel>], iteration_bounds = array<i64: 2, 16>, scalar_prefetch = 0 : i64, scratch_operands = 12 : i64, tpu.core_type = #tpu.core_type<sc_vector_subcore>, window_params = [{transform_indices = #map}, {transform_indices = #map}, {transform_indices = #map}]} {
    %mul3A = arith.constant 2 : i32
    %mul3A_0 = arith.muli %arg1, %mul3A : i32
    %add3A = arith.addi %mul3A_0, %arg0 : i32
    %mul3A_1 = arith.constant 9984 : i32
    %mul3A_2 = arith.muli %add3A, %mul3A_1 : i32
    %add3A_3 = arith.constant 0 : i32
    %add3A_4 = arith.addi %mul3A_2, %add3A_3 : i32
    %dma_start3A = arith.constant 0 : i32
    %dma_start3A_5 = tpu.memref_slice %arg2[%add3A_4, %dma_start3A] : memref<320000x128xf32, #tpu.memory_space<hbm>> -> memref<128x128xf32, #tpu.memory_space<hbm>>
    %dma_start3A_6 = arith.constant 0 : i32
    %dma_start3A_7 = tpu.memref_slice %arg2[%add3A_4, %dma_start3A_6] : memref<320000x128xf32, #tpu.memory_space<hbm>> -> memref<128x128xf32, #tpu.memory_space<hbm>>
    tpu.enqueue_dma source(%dma_start3A_7 : memref<128x128xf32, #tpu.memory_space<hbm>>) target(%arg7 : memref<128x128xf32, #tpu.memory_space<vmem>>) target_semaphore(%arg10 : memref<!tpu.dma_semaphore, #tpu.memory_space<semaphore_mem>>)
    %add3A_8 = arith.constant 128 : i32
    %add3A_9 = arith.addi %mul3A_2, %add3A_8 : i32
    %dma_start3A_10 = arith.constant 0 : i32
    %dma_start3A_11 = tpu.memref_slice %arg2[%add3A_9, %dma_start3A_10] : memref<320000x128xf32, #tpu.memory_space<hbm>> -> memref<128x128xf32, #tpu.memory_space<hbm>>
    %dma_start3A_12 = arith.constant 0 : i32
    %dma_start3A_13 = tpu.memref_slice %arg2[%add3A_9, %dma_start3A_12] : memref<320000x128xf32, #tpu.memory_space<hbm>> -> memref<128x128xf32, #tpu.memory_space<hbm>>
    tpu.enqueue_dma source(%dma_start3A_13 : memref<128x128xf32, #tpu.memory_space<hbm>>) target(%arg8 : memref<128x128xf32, #tpu.memory_space<vmem>>) target_semaphore(%arg11 : memref<!tpu.dma_semaphore, #tpu.memory_space<semaphore_mem>>)
    %dma_start3A_14 = arith.constant 1 : i32
    %dma_start3A_15 = arith.constant 0 : i32
    %dma_start3A_16 = arith.constant 0 : i32
    %dma_start3A_17 = tpu.memref_slice %arg6[%dma_start3A_15, %dma_start3A_16] : memref<2x768xi32, #tpu.memory_space<vmem>> -> memref<1x768xi32, #tpu.memory_space<vmem>>
    %dma_start3A_18 = tpu.memref_squeeze %dma_start3A_17 : memref<1x768xi32, #tpu.memory_space<vmem>> -> memref<768xi32, #tpu.memory_space<vmem>>
    %dma_start3A_19 = tpu.memref_slice %arg3[%dma_start3A_14, %mul3A_2] : memref<2x320000xi32, #tpu.memory_space<hbm>> -> memref<1x768xi32, #tpu.memory_space<hbm>>
    %dma_start3A_20 = tpu.memref_squeeze %dma_start3A_19 : memref<1x768xi32, #tpu.memory_space<hbm>> -> memref<768xi32, #tpu.memory_space<hbm>>
    %dma_start3A_21 = arith.constant 0 : i32
    %dma_start3A_22 = tpu.memref_slice %arg6[%dma_start3A_15, %dma_start3A_21] : memref<2x768xi32, #tpu.memory_space<vmem>> -> memref<1x768xi32, #tpu.memory_space<vmem>>
    %dma_start3A_23 = tpu.memref_squeeze %dma_start3A_22 : memref<1x768xi32, #tpu.memory_space<vmem>> -> memref<768xi32, #tpu.memory_space<vmem>>
    %dma_start3A_24 = tpu.memref_slice %arg3[%dma_start3A_14, %mul3A_2] : memref<2x320000xi32, #tpu.memory_space<hbm>> -> memref<1x768xi32, #tpu.memory_space<hbm>>
    %dma_start3A_25 = tpu.memref_squeeze %dma_start3A_24 : memref<1x768xi32, #tpu.memory_space<hbm>> -> memref<768xi32, #tpu.memory_space<hbm>>
    tpu.enqueue_dma source(%dma_start3A_25 : memref<768xi32, #tpu.memory_space<hbm>>) target(%dma_start3A_23 : memref<768xi32, #tpu.memory_space<vmem>>) target_semaphore(%arg16 : memref<!tpu.dma_semaphore, #tpu.memory_space<semaphore_mem>>)
    %broadcast_in_dim3A = arith.constant 0.000000e+00 : f32
    %broadcast_in_dim3A_26 = vector.broadcast %broadcast_in_dim3A : f32 to vector<16xf32>
    %scan3A = arith.constant 0 : i32
    %scan3A_27 = arith.constant 0 : i32
    %scan3A_28 = arith.constant 1000 : i32
    %scan3A_29 = arith.addi %scan3A_27, %scan3A_28 : i32
    %scan3A_30 = arith.constant 1 : i32
    scf.for %scan3A_92 = %scan3A_27 to %scan3A_29 step %scan3A_30  : i32 {
      %jit3A = arith.constant 8 : i32
      %div3A = arith.divsi %scan3A_92, %jit3A : i32
      %sign3A = arith.constant 0 : i32
      %sign3A_93 = arith.cmpi sgt, %scan3A_92, %sign3A : i32
      %sign3A_94 = arith.extui %sign3A_93 : i1 to i32
      %sign3A_95 = arith.constant 0 : i32
      %sign3A_96 = arith.cmpi slt, %scan3A_92, %sign3A_95 : i32
      %sign3A_97 = arith.extui %sign3A_96 : i1 to i32
      %sign3A_98 = arith.subi %sign3A_94, %sign3A_97 : i32
      %sign3A_99 = arith.constant 0 : i32
      %sign3A_100 = arith.cmpi sgt, %jit3A, %sign3A_99 : i32
      %sign3A_101 = arith.extui %sign3A_100 : i1 to i32
      %sign3A_102 = arith.constant 0 : i32
      %sign3A_103 = arith.cmpi slt, %jit3A, %sign3A_102 : i32
      %sign3A_104 = arith.extui %sign3A_103 : i1 to i32
      %sign3A_105 = arith.subi %sign3A_101, %sign3A_104 : i32
      %ne3A = arith.cmpi ne, %sign3A_98, %sign3A_105 : i32
      %rem3A = arith.remsi %scan3A_92, %jit3A : i32
      %ne3A_106 = arith.constant 0 : i32
      %ne3A_107 = arith.cmpi ne, %rem3A, %ne3A_106 : i32
      %and3A = arith.andi %ne3A, %ne3A_107 : i1
      %sub3A = arith.constant 1 : i32
      %sub3A_108 = arith.subi %div3A, %sub3A : i32
      %select_n3A = arith.select %and3A, %sub3A_108, %div3A : i32
      %jit3A_109 = arith.constant 8 : i32
      %eq3A = arith.constant 0 : i32
      %eq3A_110 = arith.cmpi eq, %jit3A_109, %eq3A : i32
      %jit3A_111 = arith.constant 1 : i32
      %select_n3A_112 = arith.select %eq3A_110, %jit3A_111, %jit3A_109 : i32
      %rem3A_113 = arith.remsi %scan3A_92, %select_n3A_112 : i32
      %ne3A_114 = arith.constant 0 : i32
      %ne3A_115 = arith.cmpi ne, %rem3A_113, %ne3A_114 : i32
      %lt3A_116 = arith.constant 0 : i32
      %lt3A_117 = arith.cmpi slt, %rem3A_113, %lt3A_116 : i32
      %lt3A_118 = arith.constant 0 : i32
      %lt3A_119 = arith.cmpi slt, %select_n3A_112, %lt3A_118 : i32
      %ne3A_120 = arith.xori %lt3A_117, %lt3A_119 : i1
      %and3A_121 = arith.andi %ne3A_120, %ne3A_115 : i1
      %add3A_122 = arith.addi %rem3A_113, %select_n3A_112 : i32
      %select_n3A_123 = arith.select %and3A_121, %add3A_122, %rem3A_113 : i32
      %mul3A_124 = arith.constant 16 : i32
      %mul3A_125 = arith.muli %select_n3A_123, %mul3A_124 : i32
      %swap3A = arith.index_cast %select_n3A : i32 to index
      %swap3A_126 = arith.index_cast %mul3A_125 : i32 to index
      %swap3A_127 = tpu.vector_load %arg9[%swap3A, %swap3A_126] {strides = array<i32>} : memref<128x128xf32, #tpu.memory_space<vmem>>, vector<1x16xf32>,
      %swap3A_128 = vector.shape_cast %swap3A_127 : vector<1x16xf32> to vector<16xf32>
      %swap3A_129 = vector.shape_cast %broadcast_in_dim3A_26 : vector<16xf32> to vector<1x16xf32>
      tpu.vector_store %arg9[%swap3A, %swap3A_126], %swap3A_129 {strides = array<i32>} : memref<128x128xf32, #tpu.memory_space<vmem>>, vector<1x16xf32>,
    }
    %scan3A_31 = arith.constant 1000 : i32
    %mul3A_32 = arith.constant 625 : i32
    %mul3A_33 = arith.muli %arg1, %mul3A_32 : i32
    %add3A_34 = arith.constant 0 : i32
    %add3A_35 = arith.addi %mul3A_33, %add3A_34 : i32
    "tpu.region"() ({
      %run_scoped3A = tpu.sem_alloc : memref<!tpu.dma_semaphore, #tpu.memory_space<semaphore_mem>>
      %dma_start3A_92 = arith.constant 0 : i32
      %dma_start3A_93 = arith.constant 0 : i32
      %dma_start3A_94 = tpu.memref_slice %arg9[%dma_start3A_92, %dma_start3A_93] : memref<128x128xf32, #tpu.memory_space<vmem>> -> memref<125x128xf32, #tpu.memory_space<vmem>>
      %dma_start3A_95 = arith.constant 0 : i32
      %dma_start3A_96 = tpu.memref_slice %arg5[%add3A_35, %dma_start3A_95] : memref<10000x128xf32, #tpu.memory_space<vmem_shared>> -> memref<125x128xf32, #tpu.memory_space<vmem_shared>>
      %dma_start3A_97 = arith.constant 0 : i32
      %dma_start3A_98 = tpu.memref_slice %arg5[%add3A_35, %dma_start3A_97] : memref<10000x128xf32, #tpu.memory_space<vmem_shared>> -> memref<125x128xf32, #tpu.memory_space<vmem_shared>>
      %dma_start3A_99 = arith.constant 0 : i32
      %dma_start3A_100 = arith.constant 0 : i32
      %dma_start3A_101 = tpu.memref_slice %arg9[%dma_start3A_99, %dma_start3A_100] : memref<128x128xf32, #tpu.memory_space<vmem>> -> memref<125x128xf32, #tpu.memory_space<vmem>>
      tpu.enqueue_dma source(%dma_start3A_101 : memref<125x128xf32, #tpu.memory_space<vmem>>) target(%dma_start3A_98 : memref<125x128xf32, #tpu.memory_space<vmem_shared>>) target_semaphore(%run_scoped3A : memref<!tpu.dma_semaphore, #tpu.memory_space<semaphore_mem>>)
      %dma_wait3A_102 = arith.constant 0 : i32
      %dma_wait3A_103 = arith.constant 0 : i32
      %dma_wait3A_104 = tpu.memref_slice %arg9[%dma_wait3A_102, %dma_wait3A_103] : memref<128x128xf32, #tpu.memory_space<vmem>> -> memref<125x128xf32, #tpu.memory_space<vmem>>
      %dma_wait3A_105 = arith.constant 0 : i32
      %dma_wait3A_106 = tpu.memref_slice %arg5[%add3A_35, %dma_wait3A_105] : memref<10000x128xf32, #tpu.memory_space<vmem_shared>> -> memref<125x128xf32, #tpu.memory_space<vmem_shared>>
      %dma_wait3A_107 = arith.constant 0 : i32
      %dma_wait3A_108 = tpu.memref_slice %arg5[%add3A_35, %dma_wait3A_107] : memref<10000x128xf32, #tpu.memory_space<vmem_shared>> -> memref<125x128xf32, #tpu.memory_space<vmem_shared>>
      %dma_wait3A_109 = arith.constant 0 : i32
      %dma_wait3A_110 = arith.constant 0 : i32
      %dma_wait3A_111 = tpu.memref_slice %arg9[%dma_wait3A_109, %dma_wait3A_110] : memref<128x128xf32, #tpu.memory_space<vmem>> -> memref<125x128xf32, #tpu.memory_space<vmem>>
      tpu.wait_dma2 semaphore(%run_scoped3A : memref<!tpu.dma_semaphore, #tpu.memory_space<semaphore_mem>>) src(%dma_wait3A_111 : memref<125x128xf32, #tpu.memory_space<vmem>>) dst(%dma_wait3A_108 : memref<125x128xf32, #tpu.memory_space<vmem_shared>>)
      tpu.yield
    }) : () -> ()
    %add3A_36 = arith.constant 125 : i32
    %add3A_37 = arith.addi %mul3A_33, %add3A_36 : i32
    "tpu.region"() ({
      %run_scoped3A = tpu.sem_alloc : memref<!tpu.dma_semaphore, #tpu.memory_space<semaphore_mem>>
      %dma_start3A_92 = arith.constant 0 : i32
      %dma_start3A_93 = arith.constant 0 : i32
      %dma_start3A_94 = tpu.memref_slice %arg9[%dma_start3A_92, %dma_start3A_93] : memref<128x128xf32, #tpu.memory_space<vmem>> -> memref<125x128xf32, #tpu.memory_space<vmem>>
      %dma_start3A_95 = arith.constant 0 : i32
      %dma_start3A_96 = tpu.memref_slice %arg5[%add3A_37, %dma_start3A_95] : memref<10000x128xf32, #tpu.memory_space<vmem_shared>> -> memref<125x128xf32, #tpu.memory_space<vmem_shared>>
      %dma_start3A_97 = arith.constant 0 : i32
      %dma_start3A_98 = tpu.memref_slice %arg5[%add3A_37, %dma_start3A_97] : memref<10000x128xf32, #tpu.memory_space<vmem_shared>> -> memref<125x128xf32, #tpu.memory_space<vmem_shared>>
      %dma_start3A_99 = arith.constant 0 : i32
      %dma_start3A_100 = arith.constant 0 : i32
      %dma_start3A_101 = tpu.memref_slice %arg9[%dma_start3A_99, %dma_start3A_100] : memref<128x128xf32, #tpu.memory_space<vmem>> -> memref<125x128xf32, #tpu.memory_space<vmem>>
      tpu.enqueue_dma source(%dma_start3A_101 : memref<125x128xf32, #tpu.memory_space<vmem>>) target(%dma_start3A_98 : memref<125x128xf32, #tpu.memory_space<vmem_shared>>) target_semaphore(%run_scoped3A : memref<!tpu.dma_semaphore, #tpu.memory_space<semaphore_mem>>)
      %dma_wait3A_102 = arith.constant 0 : i32
      %dma_wait3A_103 = arith.constant 0 : i32
      %dma_wait3A_104 = tpu.memref_slice %arg9[%dma_wait3A_102, %dma_wait3A_103] : memref<128x128xf32, #tpu.memory_space<vmem>> -> memref<125x128xf32, #tpu.memory_space<vmem>>
      %dma_wait3A_105 = arith.constant 0 : i32
      %dma_wait3A_106 = tpu.memref_slice %arg5[%add3A_37, %dma_wait3A_105] : memref<10000x128xf32, #tpu.memory_space<vmem_shared>> -> memref<125x128xf32, #tpu.memory_space<vmem_shared>>
      %dma_wait3A_107 = arith.constant 0 : i32
      %dma_wait3A_108 = tpu.memref_slice %arg5[%add3A_37, %dma_wait3A_107] : memref<10000x128xf32, #tpu.memory_space<vmem_shared>> -> memref<125x128xf32, #tpu.memory_space<vmem_shared>>
      %dma_wait3A_109 = arith.constant 0 : i32
      %dma_wait3A_110 = arith.constant 0 : i32
      %dma_wait3A_111 = tpu.memref_slice %arg9[%dma_wait3A_109, %dma_wait3A_110] : memref<128x128xf32, #tpu.memory_space<vmem>> -> memref<125x128xf32, #tpu.memory_space<vmem>>
      tpu.wait_dma2 semaphore(%run_scoped3A : memref<!tpu.dma_semaphore, #tpu.memory_space<semaphore_mem>>) src(%dma_wait3A_111 : memref<125x128xf32, #tpu.memory_space<vmem>>) dst(%dma_wait3A_108 : memref<125x128xf32, #tpu.memory_space<vmem_shared>>)
      tpu.yield
    }) : () -> ()
    %add3A_38 = arith.constant 250 : i32
    %add3A_39 = arith.addi %mul3A_33, %add3A_38 : i32
    "tpu.region"() ({
      %run_scoped3A = tpu.sem_alloc : memref<!tpu.dma_semaphore, #tpu.memory_space<semaphore_mem>>
      %dma_start3A_92 = arith.constant 0 : i32
      %dma_start3A_93 = arith.constant 0 : i32
      %dma_start3A_94 = tpu.memref_slice %arg9[%dma_start3A_92, %dma_start3A_93] : memref<128x128xf32, #tpu.memory_space<vmem>> -> memref<125x128xf32, #tpu.memory_space<vmem>>
      %dma_start3A_95 = arith.constant 0 : i32
      %dma_start3A_96 = tpu.memref_slice %arg5[%add3A_39, %dma_start3A_95] : memref<10000x128xf32, #tpu.memory_space<vmem_shared>> -> memref<125x128xf32, #tpu.memory_space<vmem_shared>>
      %dma_start3A_97 = arith.constant 0 : i32
      %dma_start3A_98 = tpu.memref_slice %arg5[%add3A_39, %dma_start3A_97] : memref<10000x128xf32, #tpu.memory_space<vmem_shared>> -> memref<125x128xf32, #tpu.memory_space<vmem_shared>>
      %dma_start3A_99 = arith.constant 0 : i32
      %dma_start3A_100 = arith.constant 0 : i32
      %dma_start3A_101 = tpu.memref_slice %arg9[%dma_start3A_99, %dma_start3A_100] : memref<128x128xf32, #tpu.memory_space<vmem>> -> memref<125x128xf32, #tpu.memory_space<vmem>>
      tpu.enqueue_dma source(%dma_start3A_101 : memref<125x128xf32, #tpu.memory_space<vmem>>) target(%dma_start3A_98 : memref<125x128xf32, #tpu.memory_space<vmem_shared>>) target_semaphore(%run_scoped3A : memref<!tpu.dma_semaphore, #tpu.memory_space<semaphore_mem>>)
      %dma_wait3A_102 = arith.constant 0 : i32
      %dma_wait3A_103 = arith.constant 0 : i32
      %dma_wait3A_104 = tpu.memref_slice %arg9[%dma_wait3A_102, %dma_wait3A_103] : memref<128x128xf32, #tpu.memory_space<vmem>> -> memref<125x128xf32, #tpu.memory_space<vmem>>
      %dma_wait3A_105 = arith.constant 0 : i32
      %dma_wait3A_106 = tpu.memref_slice %arg5[%add3A_39, %dma_wait3A_105] : memref<10000x128xf32, #tpu.memory_space<vmem_shared>> -> memref<125x128xf32, #tpu.memory_space<vmem_shared>>
      %dma_wait3A_107 = arith.constant 0 : i32
      %dma_wait3A_108 = tpu.memref_slice %arg5[%add3A_39, %dma_wait3A_107] : memref<10000x128xf32, #tpu.memory_space<vmem_shared>> -> memref<125x128xf32, #tpu.memory_space<vmem_shared>>
      %dma_wait3A_109 = arith.constant 0 : i32
      %dma_wait3A_110 = arith.constant 0 : i32
      %dma_wait3A_111 = tpu.memref_slice %arg9[%dma_wait3A_109, %dma_wait3A_110] : memref<128x128xf32, #tpu.memory_space<vmem>> -> memref<125x128xf32, #tpu.memory_space<vmem>>
      tpu.wait_dma2 semaphore(%run_scoped3A : memref<!tpu.dma_semaphore, #tpu.memory_space<semaphore_mem>>) src(%dma_wait3A_111 : memref<125x128xf32, #tpu.memory_space<vmem>>) dst(%dma_wait3A_108 : memref<125x128xf32, #tpu.memory_space<vmem_shared>>)
      tpu.yield
    }) : () -> ()
    %add3A_40 = arith.constant 375 : i32
    %add3A_41 = arith.addi %mul3A_33, %add3A_40 : i32
    "tpu.region"() ({
      %run_scoped3A = tpu.sem_alloc : memref<!tpu.dma_semaphore, #tpu.memory_space<semaphore_mem>>
      %dma_start3A_92 = arith.constant 0 : i32
      %dma_start3A_93 = arith.constant 0 : i32
      %dma_start3A_94 = tpu.memref_slice %arg9[%dma_start3A_92, %dma_start3A_93] : memref<128x128xf32, #tpu.memory_space<vmem>> -> memref<125x128xf32, #tpu.memory_space<vmem>>
      %dma_start3A_95 = arith.constant 0 : i32
      %dma_start3A_96 = tpu.memref_slice %arg5[%add3A_41, %dma_start3A_95] : memref<10000x128xf32, #tpu.memory_space<vmem_shared>> -> memref<125x128xf32, #tpu.memory_space<vmem_shared>>
      %dma_start3A_97 = arith.constant 0 : i32
      %dma_start3A_98 = tpu.memref_slice %arg5[%add3A_41, %dma_start3A_97] : memref<10000x128xf32, #tpu.memory_space<vmem_shared>> -> memref<125x128xf32, #tpu.memory_space<vmem_shared>>
      %dma_start3A_99 = arith.constant 0 : i32
      %dma_start3A_100 = arith.constant 0 : i32
      %dma_start3A_101 = tpu.memref_slice %arg9[%dma_start3A_99, %dma_start3A_100] : memref<128x128xf32, #tpu.memory_space<vmem>> -> memref<125x128xf32, #tpu.memory_space<vmem>>
      tpu.enqueue_dma source(%dma_start3A_101 : memref<125x128xf32, #tpu.memory_space<vmem>>) target(%dma_start3A_98 : memref<125x128xf32, #tpu.memory_space<vmem_shared>>) target_semaphore(%run_scoped3A : memref<!tpu.dma_semaphore, #tpu.memory_space<semaphore_mem>>)
      %dma_wait3A_102 = arith.constant 0 : i32
      %dma_wait3A_103 = arith.constant 0 : i32
      %dma_wait3A_104 = tpu.memref_slice %arg9[%dma_wait3A_102, %dma_wait3A_103] : memref<128x128xf32, #tpu.memory_space<vmem>> -> memref<125x128xf32, #tpu.memory_space<vmem>>
      %dma_wait3A_105 = arith.constant 0 : i32
      %dma_wait3A_106 = tpu.memref_slice %arg5[%add3A_41, %dma_wait3A_105] : memref<10000x128xf32, #tpu.memory_space<vmem_shared>> -> memref<125x128xf32, #tpu.memory_space<vmem_shared>>
      %dma_wait3A_107 = arith.constant 0 : i32
      %dma_wait3A_108 = tpu.memref_slice %arg5[%add3A_41, %dma_wait3A_107] : memref<10000x128xf32, #tpu.memory_space<vmem_shared>> -> memref<125x128xf32, #tpu.memory_space<vmem_shared>>
      %dma_wait3A_109 = arith.constant 0 : i32
      %dma_wait3A_110 = arith.constant 0 : i32
      %dma_wait3A_111 = tpu.memref_slice %arg9[%dma_wait3A_109, %dma_wait3A_110] : memref<128x128xf32, #tpu.memory_space<vmem>> -> memref<125x128xf32, #tpu.memory_space<vmem>>
      tpu.wait_dma2 semaphore(%run_scoped3A : memref<!tpu.dma_semaphore, #tpu.memory_space<semaphore_mem>>) src(%dma_wait3A_111 : memref<125x128xf32, #tpu.memory_space<vmem>>) dst(%dma_wait3A_108 : memref<125x128xf32, #tpu.memory_space<vmem_shared>>)
      tpu.yield
    }) : () -> ()
    %add3A_42 = arith.constant 500 : i32
    %add3A_43 = arith.addi %mul3A_33, %add3A_42 : i32
    "tpu.region"() ({
      %run_scoped3A = tpu.sem_alloc : memref<!tpu.dma_semaphore, #tpu.memory_space<semaphore_mem>>
      %dma_start3A_92 = arith.constant 0 : i32
      %dma_start3A_93 = arith.constant 0 : i32
      %dma_start3A_94 = tpu.memref_slice %arg9[%dma_start3A_92, %dma_start3A_93] : memref<128x128xf32, #tpu.memory_space<vmem>> -> memref<125x128xf32, #tpu.memory_space<vmem>>
      %dma_start3A_95 = arith.constant 0 : i32
      %dma_start3A_96 = tpu.memref_slice %arg5[%add3A_43, %dma_start3A_95] : memref<10000x128xf32, #tpu.memory_space<vmem_shared>> -> memref<125x128xf32, #tpu.memory_space<vmem_shared>>
      %dma_start3A_97 = arith.constant 0 : i32
      %dma_start3A_98 = tpu.memref_slice %arg5[%add3A_43, %dma_start3A_97] : memref<10000x128xf32, #tpu.memory_space<vmem_shared>> -> memref<125x128xf32, #tpu.memory_space<vmem_shared>>
      %dma_start3A_99 = arith.constant 0 : i32
      %dma_start3A_100 = arith.constant 0 : i32
      %dma_start3A_101 = tpu.memref_slice %arg9[%dma_start3A_99, %dma_start3A_100] : memref<128x128xf32, #tpu.memory_space<vmem>> -> memref<125x128xf32, #tpu.memory_space<vmem>>
      tpu.enqueue_dma source(%dma_start3A_101 : memref<125x128xf32, #tpu.memory_space<vmem>>) target(%dma_start3A_98 : memref<125x128xf32, #tpu.memory_space<vmem_shared>>) target_semaphore(%run_scoped3A : memref<!tpu.dma_semaphore, #tpu.memory_space<semaphore_mem>>)
      %dma_wait3A_102 = arith.constant 0 : i32
      %dma_wait3A_103 = arith.constant 0 : i32
      %dma_wait3A_104 = tpu.memref_slice %arg9[%dma_wait3A_102, %dma_wait3A_103] : memref<128x128xf32, #tpu.memory_space<vmem>> -> memref<125x128xf32, #tpu.memory_space<vmem>>
      %dma_wait3A_105 = arith.constant 0 : i32
      %dma_wait3A_106 = tpu.memref_slice %arg5[%add3A_43, %dma_wait3A_105] : memref<10000x128xf32, #tpu.memory_space<vmem_shared>> -> memref<125x128xf32, #tpu.memory_space<vmem_shared>>
      %dma_wait3A_107 = arith.constant 0 : i32
      %dma_wait3A_108 = tpu.memref_slice %arg5[%add3A_43, %dma_wait3A_107] : memref<10000x128xf32, #tpu.memory_space<vmem_shared>> -> memref<125x128xf32, #tpu.memory_space<vmem_shared>>
      %dma_wait3A_109 = arith.constant 0 : i32
      %dma_wait3A_110 = arith.constant 0 : i32
      %dma_wait3A_111 = tpu.memref_slice %arg9[%dma_wait3A_109, %dma_wait3A_110] : memref<128x128xf32, #tpu.memory_space<vmem>> -> memref<125x128xf32, #tpu.memory_space<vmem>>
      tpu.wait_dma2 semaphore(%run_scoped3A : memref<!tpu.dma_semaphore, #tpu.memory_space<semaphore_mem>>) src(%dma_wait3A_111 : memref<125x128xf32, #tpu.memory_space<vmem>>) dst(%dma_wait3A_108 : memref<125x128xf32, #tpu.memory_space<vmem_shared>>)
      tpu.yield
    }) : () -> ()
    %dma_wait3A = arith.constant 1 : i32
    %dma_wait3A_44 = arith.constant 0 : i32
    %dma_wait3A_45 = arith.constant 0 : i32
    %dma_wait3A_46 = tpu.memref_slice %arg6[%dma_wait3A_44, %dma_wait3A_45] : memref<2x768xi32, #tpu.memory_space<vmem>> -> memref<1x768xi32, #tpu.memory_space<vmem>>
    %dma_wait3A_47 = tpu.memref_squeeze %dma_wait3A_46 : memref<1x768xi32, #tpu.memory_space<vmem>> -> memref<768xi32, #tpu.memory_space<vmem>>
    %dma_wait3A_48 = tpu.memref_slice %arg3[%dma_wait3A, %mul3A_2] : memref<2x320000xi32, #tpu.memory_space<hbm>> -> memref<1x768xi32, #tpu.memory_space<hbm>>
    %dma_wait3A_49 = tpu.memref_squeeze %dma_wait3A_48 : memref<1x768xi32, #tpu.memory_space<hbm>> -> memref<768xi32, #tpu.memory_space<hbm>>
    %dma_wait3A_50 = arith.constant 0 : i32
    %dma_wait3A_51 = tpu.memref_slice %arg6[%dma_wait3A_44, %dma_wait3A_50] : memref<2x768xi32, #tpu.memory_space<vmem>> -> memref<1x768xi32, #tpu.memory_space<vmem>>
    %dma_wait3A_52 = tpu.memref_squeeze %dma_wait3A_51 : memref<1x768xi32, #tpu.memory_space<vmem>> -> memref<768xi32, #tpu.memory_space<vmem>>
    %dma_wait3A_53 = tpu.memref_slice %arg3[%dma_wait3A, %mul3A_2] : memref<2x320000xi32, #tpu.memory_space<hbm>> -> memref<1x768xi32, #tpu.memory_space<hbm>>
    %dma_wait3A_54 = tpu.memref_squeeze %dma_wait3A_53 : memref<1x768xi32, #tpu.memory_space<hbm>> -> memref<768xi32, #tpu.memory_space<hbm>>
    tpu.wait_dma2 semaphore(%arg16 : memref<!tpu.dma_semaphore, #tpu.memory_space<semaphore_mem>>) src(%dma_wait3A_54 : memref<768xi32, #tpu.memory_space<hbm>>) dst(%dma_wait3A_52 : memref<768xi32, #tpu.memory_space<vmem>>)
    %barrier3A = arith.constant 0 : index
    tpu.barrier barrier_id(%barrier3A)
    %scan3A_55 = arith.constant 0 : i32
    %scan3A_56 = arith.constant 0 : i32
    %scan3A_57 = arith.constant 13 : i32
    %scan3A_58 = arith.addi %scan3A_56, %scan3A_57 : i32
    %scan3A_59 = arith.constant 1 : i32
    scf.for %scan3A_92 = %scan3A_56 to %scan3A_58 step %scan3A_59  : i32 {
      %ge3A = arith.constant 1 : i32
      %ge3A_93 = arith.cmpi sge, %scan3A_92, %ge3A : i32
      %convert_element_type3A_94 = arith.extui %ge3A_93 : i1 to i32
      %cond3A_95 = arith.constant 0 : i32
      %cond3A_96 = arith.cmpi ne, %convert_element_type3A_94, %cond3A_95 : i32
      scf.if %cond3A_96 {
        %jit3A_354 = arith.constant 2 : i32
        %eq3A_355 = arith.constant 0 : i32
        %eq3A_356 = arith.cmpi eq, %jit3A_354, %eq3A_355 : i32
        %jit3A_357 = arith.constant 1 : i32
        %select_n3A_358 = arith.select %eq3A_356, %jit3A_357, %jit3A_354 : i32
        %rem3A_359 = arith.remsi %scan3A_92, %select_n3A_358 : i32
        %ne3A_360 = arith.constant 0 : i32
        %ne3A_361 = arith.cmpi ne, %rem3A_359, %ne3A_360 : i32
        %lt3A_362 = arith.constant 0 : i32
        %lt3A_363 = arith.cmpi slt, %rem3A_359, %lt3A_362 : i32
        %lt3A_364 = arith.constant 0 : i32
        %lt3A_365 = arith.cmpi slt, %select_n3A_358, %lt3A_364 : i32
        %ne3A_366 = arith.xori %lt3A_363, %lt3A_365 : i1
        %and3A_367 = arith.andi %ne3A_366, %ne3A_361 : i1
        %add3A_368 = arith.addi %rem3A_359, %select_n3A_358 : i32
        %select_n3A_369 = arith.select %and3A_367, %add3A_368, %rem3A_359 : i32
        %dma_wait3A_370 = arith.constant 1 : i32
        %dma_wait3A_371 = arith.constant 0 : i32
        %dma_wait3A_372 = tpu.memref_slice %arg6[%select_n3A_369, %dma_wait3A_371] : memref<2x768xi32, #tpu.memory_space<vmem>> -> memref<1x768xi32, #tpu.memory_space<vmem>>
        %dma_wait3A_373 = tpu.memref_squeeze %dma_wait3A_372 : memref<1x768xi32, #tpu.memory_space<vmem>> -> memref<768xi32, #tpu.memory_space<vmem>>
        %dma_wait3A_374 = tpu.memref_slice %arg3[%dma_wait3A_370, %mul3A_2] : memref<2x320000xi32, #tpu.memory_space<hbm>> -> memref<1x768xi32, #tpu.memory_space<hbm>>
        %dma_wait3A_375 = tpu.memref_squeeze %dma_wait3A_374 : memref<1x768xi32, #tpu.memory_space<hbm>> -> memref<768xi32, #tpu.memory_space<hbm>>
        %dma_wait3A_376 = arith.constant 0 : i32
        %dma_wait3A_377 = tpu.memref_slice %arg6[%select_n3A_369, %dma_wait3A_376] : memref<2x768xi32, #tpu.memory_space<vmem>> -> memref<1x768xi32, #tpu.memory_space<vmem>>
        %dma_wait3A_378 = tpu.memref_squeeze %dma_wait3A_377 : memref<1x768xi32, #tpu.memory_space<vmem>> -> memref<768xi32, #tpu.memory_space<vmem>>
        %dma_wait3A_379 = tpu.memref_slice %arg3[%dma_wait3A_370, %mul3A_2] : memref<2x320000xi32, #tpu.memory_space<hbm>> -> memref<1x768xi32, #tpu.memory_space<hbm>>
        %dma_wait3A_380 = tpu.memref_squeeze %dma_wait3A_379 : memref<1x768xi32, #tpu.memory_space<hbm>> -> memref<768xi32, #tpu.memory_space<hbm>>
        tpu.wait_dma2 semaphore(%arg16 : memref<!tpu.dma_semaphore, #tpu.memory_space<semaphore_mem>>) src(%dma_wait3A_380 : memref<768xi32, #tpu.memory_space<hbm>>) dst(%dma_wait3A_378 : memref<768xi32, #tpu.memory_space<vmem>>)
      } else {
      }
      %mul3A_97 = arith.constant 6 : i32
      %mul3A_98 = arith.muli %mul3A_97, %scan3A_92 : i32
      %add3A_99 = arith.constant 0 : i32
      %add3A_100 = arith.addi %mul3A_98, %add3A_99 : i32
      %dma_wait3A_101 = arith.constant 0 : i32
      %dma_wait3A_102 = tpu.memref_slice %arg2[%mul3A_2, %dma_wait3A_101] : memref<320000x128xf32, #tpu.memory_space<hbm>> -> memref<128x128xf32, #tpu.memory_space<hbm>>
      %dma_wait3A_103 = arith.constant 0 : i32
      %dma_wait3A_104 = tpu.memref_slice %arg2[%mul3A_2, %dma_wait3A_103] : memref<320000x128xf32, #tpu.memory_space<hbm>> -> memref<128x128xf32, #tpu.memory_space<hbm>>
      tpu.wait_dma2 semaphore(%arg10 : memref<!tpu.dma_semaphore, #tpu.memory_space<semaphore_mem>>) src(%dma_wait3A_104 : memref<128x128xf32, #tpu.memory_space<hbm>>) dst(%arg7 : memref<128x128xf32, #tpu.memory_space<vmem>>)
      %jit3A = arith.constant 2 : i32
      %eq3A = arith.constant 0 : i32
      %eq3A_105 = arith.cmpi eq, %jit3A, %eq3A : i32
      %jit3A_106 = arith.constant 1 : i32
      %select_n3A = arith.select %eq3A_105, %jit3A_106, %jit3A : i32
      %rem3A = arith.remsi %scan3A_92, %select_n3A : i32
      %ne3A = arith.constant 0 : i32
      %ne3A_107 = arith.cmpi ne, %rem3A, %ne3A : i32
      %lt3A_108 = arith.constant 0 : i32
      %lt3A_109 = arith.cmpi slt, %rem3A, %lt3A_108 : i32
      %lt3A_110 = arith.constant 0 : i32
      %lt3A_111 = arith.cmpi slt, %select_n3A, %lt3A_110 : i32
      %ne3A_112 = arith.xori %lt3A_109, %lt3A_111 : i1
      %and3A = arith.andi %ne3A_112, %ne3A_107 : i1
      %add3A_113 = arith.addi %rem3A, %select_n3A : i32
      %select_n3A_114 = arith.select %and3A, %add3A_113, %rem3A : i32
      %dma_start3A_115 = arith.constant 0 : i32
      %dma_start3A_116 = tpu.memref_slice %arg6[%select_n3A_114, %dma_start3A_115] : memref<2x768xi32, #tpu.memory_space<vmem>> -> memref<1x128xi32, #tpu.memory_space<vmem>>
      %dma_start3A_117 = tpu.memref_squeeze %dma_start3A_116 : memref<1x128xi32, #tpu.memory_space<vmem>> -> memref<128xi32, #tpu.memory_space<vmem>>
      %dma_start3A_118 = arith.constant 0 : i32
      %dma_start3A_119 = arith.constant 0 : i32
      %dma_start3A_120 = tpu.memref_slice %arg5[%dma_start3A_118, %dma_start3A_119] : memref<10000x128xf32, #tpu.memory_space<vmem_shared>> -> memref<10000x128xf32, #tpu.memory_space<vmem_shared>>
      tpu.enqueue_indirect_dma source(%arg7 : memref<128x128xf32, #tpu.memory_space<vmem>>) target(%dma_start3A_120 : memref<10000x128xf32, #tpu.memory_space<vmem_shared>>) offsets(%dma_start3A_117 : memref<128xi32, #tpu.memory_space<vmem>>) semaphore(%arg13 : memref<!tpu.dma_semaphore, #tpu.memory_space<semaphore_mem>>) {add = true}
      %ge3A_121 = arith.constant 1 : i32
      %ge3A_122 = arith.cmpi sge, %add3A_100, %ge3A_121 : i32
      %lt3A_123 = arith.constant 76 : i32
      %lt3A_124 = arith.cmpi slt, %add3A_100, %lt3A_123 : i32
      %and3A_125 = arith.andi %ge3A_122, %lt3A_124 : i1
      %convert_element_type3A_126 = arith.extui %and3A_125 : i1 to i32
      %cond3A_127 = arith.constant 0 : i32
      %cond3A_128 = arith.cmpi ne, %convert_element_type3A_126, %cond3A_127 : i32
      scf.if %cond3A_128 {
        %jit3A_354 = arith.constant 2 : i32
        %eq3A_355 = arith.constant 0 : i32
        %eq3A_356 = arith.cmpi eq, %jit3A_354, %eq3A_355 : i32
        %jit3A_357 = arith.constant 1 : i32
        %select_n3A_358 = arith.select %eq3A_356, %jit3A_357, %jit3A_354 : i32
        %rem3A_359 = arith.remsi %scan3A_92, %select_n3A_358 : i32
        %ne3A_360 = arith.constant 0 : i32
        %ne3A_361 = arith.cmpi ne, %rem3A_359, %ne3A_360 : i32
        %lt3A_362 = arith.constant 0 : i32
        %lt3A_363 = arith.cmpi slt, %rem3A_359, %lt3A_362 : i32
        %lt3A_364 = arith.constant 0 : i32
        %lt3A_365 = arith.cmpi slt, %select_n3A_358, %lt3A_364 : i32
        %ne3A_366 = arith.xori %lt3A_363, %lt3A_365 : i1
        %and3A_367 = arith.andi %ne3A_366, %ne3A_361 : i1
        %add3A_368 = arith.addi %rem3A_359, %select_n3A_358 : i32
        %select_n3A_369 = arith.select %and3A_367, %add3A_368, %rem3A_359 : i32
        %dma_wait3A_370 = arith.constant 0 : i32
        %dma_wait3A_371 = tpu.memref_slice %arg6[%select_n3A_369, %dma_wait3A_370] : memref<2x768xi32, #tpu.memory_space<vmem>> -> memref<1x128xi32, #tpu.memory_space<vmem>>
        %dma_wait3A_372 = tpu.memref_squeeze %dma_wait3A_371 : memref<1x128xi32, #tpu.memory_space<vmem>> -> memref<128xi32, #tpu.memory_space<vmem>>
        %dma_wait3A_373 = arith.constant 0 : i32
        %dma_wait3A_374 = arith.constant 0 : i32
        %dma_wait3A_375 = tpu.memref_slice %arg5[%dma_wait3A_373, %dma_wait3A_374] : memref<10000x128xf32, #tpu.memory_space<vmem_shared>> -> memref<10000x128xf32, #tpu.memory_space<vmem_shared>>
        tpu.wait_indirect_dma semaphore(%arg15 : memref<!tpu.dma_semaphore, #tpu.memory_space<semaphore_mem>>) src(%arg9 : memref<128x128xf32, #tpu.memory_space<vmem>>) dst(%dma_wait3A_375 : memref<10000x128xf32, #tpu.memory_space<vmem_shared>>)
      } else {
      }
      %lt3A_129 = arith.constant 76 : i32
      %lt3A_130 = arith.cmpi slt, %add3A_100, %lt3A_129 : i32
      %convert_element_type3A_131 = arith.extui %lt3A_130 : i1 to i32
      %cond3A_132 = arith.constant 0 : i32
      %cond3A_133 = arith.cmpi ne, %convert_element_type3A_131, %cond3A_132 : i32
      scf.if %cond3A_133 {
        %add3A_354 = arith.constant 2 : i32
        %add3A_355 = arith.addi %add3A_100, %add3A_354 : i32
        %mul3A_356 = arith.constant 128 : i32
        %mul3A_357 = arith.muli %add3A_355, %mul3A_356 : i32
        %add3A_358 = arith.addi %mul3A_2, %mul3A_357 : i32
        %dma_start3A_359 = arith.constant 0 : i32
        %dma_start3A_360 = tpu.memref_slice %arg2[%add3A_358, %dma_start3A_359] : memref<320000x128xf32, #tpu.memory_space<hbm>> -> memref<128x128xf32, #tpu.memory_space<hbm>>
        %dma_start3A_361 = arith.constant 0 : i32
        %dma_start3A_362 = tpu.memref_slice %arg2[%add3A_358, %dma_start3A_361] : memref<320000x128xf32, #tpu.memory_space<hbm>> -> memref<128x128xf32, #tpu.memory_space<hbm>>
        tpu.enqueue_dma source(%dma_start3A_362 : memref<128x128xf32, #tpu.memory_space<hbm>>) target(%arg9 : memref<128x128xf32, #tpu.memory_space<vmem>>) target_semaphore(%arg12 : memref<!tpu.dma_semaphore, #tpu.memory_space<semaphore_mem>>)
      } else {
      }
      %lt3A_134 = arith.constant 12 : i32
      %lt3A_135 = arith.cmpi slt, %scan3A_92, %lt3A_134 : i32
      %convert_element_type3A_136 = arith.extui %lt3A_135 : i1 to i32
      %cond3A_137 = arith.constant 0 : i32
      %cond3A_138 = arith.cmpi ne, %convert_element_type3A_136, %cond3A_137 : i32
      scf.if %cond3A_138 {
        %add3A_354 = arith.constant 1 : i32
        %add3A_355 = arith.addi %scan3A_92, %add3A_354 : i32
        %mul3A_356 = arith.constant 6 : i32
        %mul3A_357 = arith.muli %add3A_355, %mul3A_356 : i32
        %mul3A_358 = arith.constant 128 : i32
        %mul3A_359 = arith.muli %mul3A_357, %mul3A_358 : i32
        %add3A_360 = arith.addi %mul3A_2, %mul3A_359 : i32
        %jit3A_361 = arith.constant 2 : i32
        %eq3A_362 = arith.constant 0 : i32
        %eq3A_363 = arith.cmpi eq, %jit3A_361, %eq3A_362 : i32
        %jit3A_364 = arith.constant 1 : i32
        %select_n3A_365 = arith.select %eq3A_363, %jit3A_364, %jit3A_361 : i32
        %rem3A_366 = arith.remsi %add3A_355, %select_n3A_365 : i32
        %ne3A_367 = arith.constant 0 : i32
        %ne3A_368 = arith.cmpi ne, %rem3A_366, %ne3A_367 : i32
        %lt3A_369 = arith.constant 0 : i32
        %lt3A_370 = arith.cmpi slt, %rem3A_366, %lt3A_369 : i32
        %lt3A_371 = arith.constant 0 : i32
        %lt3A_372 = arith.cmpi slt, %select_n3A_365, %lt3A_371 : i32
        %ne3A_373 = arith.xori %lt3A_370, %lt3A_372 : i1
        %and3A_374 = arith.andi %ne3A_373, %ne3A_368 : i1
        %add3A_375 = arith.addi %rem3A_366, %select_n3A_365 : i32
        %select_n3A_376 = arith.select %and3A_374, %add3A_375, %rem3A_366 : i32
        %dma_start3A_377 = arith.constant 1 : i32
        %dma_start3A_378 = arith.constant 0 : i32
        %dma_start3A_379 = tpu.memref_slice %arg6[%select_n3A_376, %dma_start3A_378] : memref<2x768xi32, #tpu.memory_space<vmem>> -> memref<1x768xi32, #tpu.memory_space<vmem>>
        %dma_start3A_380 = tpu.memref_squeeze %dma_start3A_379 : memref<1x768xi32, #tpu.memory_space<vmem>> -> memref<768xi32, #tpu.memory_space<vmem>>
        %dma_start3A_381 = tpu.memref_slice %arg3[%dma_start3A_377, %add3A_360] : memref<2x320000xi32, #tpu.memory_space<hbm>> -> memref<1x768xi32, #tpu.memory_space<hbm>>
        %dma_start3A_382 = tpu.memref_squeeze %dma_start3A_381 : memref<1x768xi32, #tpu.memory_space<hbm>> -> memref<768xi32, #tpu.memory_space<hbm>>
        %dma_start3A_383 = arith.constant 0 : i32
        %dma_start3A_384 = tpu.memref_slice %arg6[%select_n3A_376, %dma_start3A_383] : memref<2x768xi32, #tpu.memory_space<vmem>> -> memref<1x768xi32, #tpu.memory_space<vmem>>
        %dma_start3A_385 = tpu.memref_squeeze %dma_start3A_384 : memref<1x768xi32, #tpu.memory_space<vmem>> -> memref<768xi32, #tpu.memory_space<vmem>>
        %dma_start3A_386 = tpu.memref_slice %arg3[%dma_start3A_377, %add3A_360] : memref<2x320000xi32, #tpu.memory_space<hbm>> -> memref<1x768xi32, #tpu.memory_space<hbm>>
        %dma_start3A_387 = tpu.memref_squeeze %dma_start3A_386 : memref<1x768xi32, #tpu.memory_space<hbm>> -> memref<768xi32, #tpu.memory_space<hbm>>
        tpu.enqueue_dma source(%dma_start3A_387 : memref<768xi32, #tpu.memory_space<hbm>>) target(%dma_start3A_385 : memref<768xi32, #tpu.memory_space<vmem>>) target_semaphore(%arg16 : memref<!tpu.dma_semaphore, #tpu.memory_space<semaphore_mem>>)
      } else {
      }
      %mul3A_139 = arith.constant 6 : i32
      %mul3A_140 = arith.muli %mul3A_139, %scan3A_92 : i32
      %add3A_141 = arith.constant 1 : i32
      %add3A_142 = arith.addi %mul3A_140, %add3A_141 : i32
      %dma_wait3A_143 = arith.constant 0 : i32
      %dma_wait3A_144 = tpu.memref_slice %arg2[%mul3A_2, %dma_wait3A_143] : memref<320000x128xf32, #tpu.memory_space<hbm>> -> memref<128x128xf32, #tpu.memory_space<hbm>>
      %dma_wait3A_145 = arith.constant 0 : i32
      %dma_wait3A_146 = tpu.memref_slice %arg2[%mul3A_2, %dma_wait3A_145] : memref<320000x128xf32, #tpu.memory_space<hbm>> -> memref<128x128xf32, #tpu.memory_space<hbm>>
      tpu.wait_dma2 semaphore(%arg11 : memref<!tpu.dma_semaphore, #tpu.memory_space<semaphore_mem>>) src(%dma_wait3A_146 : memref<128x128xf32, #tpu.memory_space<hbm>>) dst(%arg8 : memref<128x128xf32, #tpu.memory_space<vmem>>)
      %jit3A_147 = arith.constant 2 : i32
      %eq3A_148 = arith.constant 0 : i32
      %eq3A_149 = arith.cmpi eq, %jit3A_147, %eq3A_148 : i32
      %jit3A_150 = arith.constant 1 : i32
      %select_n3A_151 = arith.select %eq3A_149, %jit3A_150, %jit3A_147 : i32
      %rem3A_152 = arith.remsi %scan3A_92, %select_n3A_151 : i32
      %ne3A_153 = arith.constant 0 : i32
      %ne3A_154 = arith.cmpi ne, %rem3A_152, %ne3A_153 : i32
      %lt3A_155 = arith.constant 0 : i32
      %lt3A_156 = arith.cmpi slt, %rem3A_152, %lt3A_155 : i32
      %lt3A_157 = arith.constant 0 : i32
      %lt3A_158 = arith.cmpi slt, %select_n3A_151, %lt3A_157 : i32
      %ne3A_159 = arith.xori %lt3A_156, %lt3A_158 : i1
      %and3A_160 = arith.andi %ne3A_159, %ne3A_154 : i1
      %add3A_161 = arith.addi %rem3A_152, %select_n3A_151 : i32
      %select_n3A_162 = arith.select %and3A_160, %add3A_161, %rem3A_152 : i32
      %dma_start3A_163 = arith.constant 128 : i32
      %dma_start3A_164 = tpu.memref_slice %arg6[%select_n3A_162, %dma_start3A_163] : memref<2x768xi32, #tpu.memory_space<vmem>> -> memref<1x128xi32, #tpu.memory_space<vmem>>
      %dma_start3A_165 = tpu.memref_squeeze %dma_start3A_164 : memref<1x128xi32, #tpu.memory_space<vmem>> -> memref<128xi32, #tpu.memory_space<vmem>>
      %dma_start3A_166 = arith.constant 0 : i32
      %dma_start3A_167 = arith.constant 0 : i32
      %dma_start3A_168 = tpu.memref_slice %arg5[%dma_start3A_166, %dma_start3A_167] : memref<10000x128xf32, #tpu.memory_space<vmem_shared>> -> memref<10000x128xf32, #tpu.memory_space<vmem_shared>>
      tpu.enqueue_indirect_dma source(%arg8 : memref<128x128xf32, #tpu.memory_space<vmem>>) target(%dma_start3A_168 : memref<10000x128xf32, #tpu.memory_space<vmem_shared>>) offsets(%dma_start3A_165 : memref<128xi32, #tpu.memory_space<vmem>>) semaphore(%arg14 : memref<!tpu.dma_semaphore, #tpu.memory_space<semaphore_mem>>) {add = true}
      %ge3A_169 = arith.constant 1 : i32
      %ge3A_170 = arith.cmpi sge, %add3A_142, %ge3A_169 : i32
      %lt3A_171 = arith.constant 76 : i32
      %lt3A_172 = arith.cmpi slt, %add3A_142, %lt3A_171 : i32
      %and3A_173 = arith.andi %ge3A_170, %lt3A_172 : i1
      %convert_element_type3A_174 = arith.extui %and3A_173 : i1 to i32
      %cond3A_175 = arith.constant 0 : i32
      %cond3A_176 = arith.cmpi ne, %convert_element_type3A_174, %cond3A_175 : i32
      scf.if %cond3A_176 {
        %jit3A_354 = arith.constant 2 : i32
        %eq3A_355 = arith.constant 0 : i32
        %eq3A_356 = arith.cmpi eq, %jit3A_354, %eq3A_355 : i32
        %jit3A_357 = arith.constant 1 : i32
        %select_n3A_358 = arith.select %eq3A_356, %jit3A_357, %jit3A_354 : i32
        %rem3A_359 = arith.remsi %scan3A_92, %select_n3A_358 : i32
        %ne3A_360 = arith.constant 0 : i32
        %ne3A_361 = arith.cmpi ne, %rem3A_359, %ne3A_360 : i32
        %lt3A_362 = arith.constant 0 : i32
        %lt3A_363 = arith.cmpi slt, %rem3A_359, %lt3A_362 : i32
        %lt3A_364 = arith.constant 0 : i32
        %lt3A_365 = arith.cmpi slt, %select_n3A_358, %lt3A_364 : i32
        %ne3A_366 = arith.xori %lt3A_363, %lt3A_365 : i1
        %and3A_367 = arith.andi %ne3A_366, %ne3A_361 : i1
        %add3A_368 = arith.addi %rem3A_359, %select_n3A_358 : i32
        %select_n3A_369 = arith.select %and3A_367, %add3A_368, %rem3A_359 : i32
        %dma_wait3A_370 = arith.constant 128 : i32
        %dma_wait3A_371 = tpu.memref_slice %arg6[%select_n3A_369, %dma_wait3A_370] : memref<2x768xi32, #tpu.memory_space<vmem>> -> memref<1x128xi32, #tpu.memory_space<vmem>>
        %dma_wait3A_372 = tpu.memref_squeeze %dma_wait3A_371 : memref<1x128xi32, #tpu.memory_space<vmem>> -> memref<128xi32, #tpu.memory_space<vmem>>
        %dma_wait3A_373 = arith.constant 0 : i32
        %dma_wait3A_374 = arith.constant 0 : i32
        %dma_wait3A_375 = tpu.memref_slice %arg5[%dma_wait3A_373, %dma_wait3A_374] : memref<10000x128xf32, #tpu.memory_space<vmem_shared>> -> memref<10000x128xf32, #tpu.memory_space<vmem_shared>>
        tpu.wait_indirect_dma semaphore(%arg13 : memref<!tpu.dma_semaphore, #tpu.memory_space<semaphore_mem>>) src(%arg7 : memref<128x128xf32, #tpu.memory_space<vmem>>) dst(%dma_wait3A_375 : memref<10000x128xf32, #tpu.memory_space<vmem_shared>>)
      } else {
      }
      %lt3A_177 = arith.constant 76 : i32
      %lt3A_178 = arith.cmpi slt, %add3A_142, %lt3A_177 : i32
      %convert_element_type3A_179 = arith.extui %lt3A_178 : i1 to i32
      %cond3A_180 = arith.constant 0 : i32
      %cond3A_181 = arith.cmpi ne, %convert_element_type3A_179, %cond3A_180 : i32
      scf.if %cond3A_181 {
        %add3A_354 = arith.constant 2 : i32
        %add3A_355 = arith.addi %add3A_142, %add3A_354 : i32
        %mul3A_356 = arith.constant 128 : i32
        %mul3A_357 = arith.muli %add3A_355, %mul3A_356 : i32
        %add3A_358 = arith.addi %mul3A_2, %mul3A_357 : i32
        %dma_start3A_359 = arith.constant 0 : i32
        %dma_start3A_360 = tpu.memref_slice %arg2[%add3A_358, %dma_start3A_359] : memref<320000x128xf32, #tpu.memory_space<hbm>> -> memref<128x128xf32, #tpu.memory_space<hbm>>
        %dma_start3A_361 = arith.constant 0 : i32
        %dma_start3A_362 = tpu.memref_slice %arg2[%add3A_358, %dma_start3A_361] : memref<320000x128xf32, #tpu.memory_space<hbm>> -> memref<128x128xf32, #tpu.memory_space<hbm>>
        tpu.enqueue_dma source(%dma_start3A_362 : memref<128x128xf32, #tpu.memory_space<hbm>>) target(%arg7 : memref<128x128xf32, #tpu.memory_space<vmem>>) target_semaphore(%arg10 : memref<!tpu.dma_semaphore, #tpu.memory_space<semaphore_mem>>)
      } else {
      }
      %mul3A_182 = arith.constant 6 : i32
      %mul3A_183 = arith.muli %mul3A_182, %scan3A_92 : i32
      %add3A_184 = arith.constant 2 : i32
      %add3A_185 = arith.addi %mul3A_183, %add3A_184 : i32
      %dma_wait3A_186 = arith.constant 0 : i32
      %dma_wait3A_187 = tpu.memref_slice %arg2[%mul3A_2, %dma_wait3A_186] : memref<320000x128xf32, #tpu.memory_space<hbm>> -> memref<128x128xf32, #tpu.memory_space<hbm>>
      %dma_wait3A_188 = arith.constant 0 : i32
      %dma_wait3A_189 = tpu.memref_slice %arg2[%mul3A_2, %dma_wait3A_188] : memref<320000x128xf32, #tpu.memory_space<hbm>> -> memref<128x128xf32, #tpu.memory_space<hbm>>
      tpu.wait_dma2 semaphore(%arg12 : memref<!tpu.dma_semaphore, #tpu.memory_space<semaphore_mem>>) src(%dma_wait3A_189 : memref<128x128xf32, #tpu.memory_space<hbm>>) dst(%arg9 : memref<128x128xf32, #tpu.memory_space<vmem>>)
      %jit3A_190 = arith.constant 2 : i32
      %eq3A_191 = arith.constant 0 : i32
      %eq3A_192 = arith.cmpi eq, %jit3A_190, %eq3A_191 : i32
      %jit3A_193 = arith.constant 1 : i32
      %select_n3A_194 = arith.select %eq3A_192, %jit3A_193, %jit3A_190 : i32
      %rem3A_195 = arith.remsi %scan3A_92, %select_n3A_194 : i32
      %ne3A_196 = arith.constant 0 : i32
      %ne3A_197 = arith.cmpi ne, %rem3A_195, %ne3A_196 : i32
      %lt3A_198 = arith.constant 0 : i32
      %lt3A_199 = arith.cmpi slt, %rem3A_195, %lt3A_198 : i32
      %lt3A_200 = arith.constant 0 : i32
      %lt3A_201 = arith.cmpi slt, %select_n3A_194, %lt3A_200 : i32
      %ne3A_202 = arith.xori %lt3A_199, %lt3A_201 : i1
      %and3A_203 = arith.andi %ne3A_202, %ne3A_197 : i1
      %add3A_204 = arith.addi %rem3A_195, %select_n3A_194 : i32
      %select_n3A_205 = arith.select %and3A_203, %add3A_204, %rem3A_195 : i32
      %dma_start3A_206 = arith.constant 256 : i32
      %dma_start3A_207 = tpu.memref_slice %arg6[%select_n3A_205, %dma_start3A_206] : memref<2x768xi32, #tpu.memory_space<vmem>> -> memref<1x128xi32, #tpu.memory_space<vmem>>
      %dma_start3A_208 = tpu.memref_squeeze %dma_start3A_207 : memref<1x128xi32, #tpu.memory_space<vmem>> -> memref<128xi32, #tpu.memory_space<vmem>>
      %dma_start3A_209 = arith.constant 0 : i32
      %dma_start3A_210 = arith.constant 0 : i32
      %dma_start3A_211 = tpu.memref_slice %arg5[%dma_start3A_209, %dma_start3A_210] : memref<10000x128xf32, #tpu.memory_space<vmem_shared>> -> memref<10000x128xf32, #tpu.memory_space<vmem_shared>>
      tpu.enqueue_indirect_dma source(%arg9 : memref<128x128xf32, #tpu.memory_space<vmem>>) target(%dma_start3A_211 : memref<10000x128xf32, #tpu.memory_space<vmem_shared>>) offsets(%dma_start3A_208 : memref<128xi32, #tpu.memory_space<vmem>>) semaphore(%arg15 : memref<!tpu.dma_semaphore, #tpu.memory_space<semaphore_mem>>) {add = true}
      %ge3A_212 = arith.constant 1 : i32
      %ge3A_213 = arith.cmpi sge, %add3A_185, %ge3A_212 : i32
      %lt3A_214 = arith.constant 76 : i32
      %lt3A_215 = arith.cmpi slt, %add3A_185, %lt3A_214 : i32
      %and3A_216 = arith.andi %ge3A_213, %lt3A_215 : i1
      %convert_element_type3A_217 = arith.extui %and3A_216 : i1 to i32
      %cond3A_218 = arith.constant 0 : i32
      %cond3A_219 = arith.cmpi ne, %convert_element_type3A_217, %cond3A_218 : i32
      scf.if %cond3A_219 {
        %jit3A_354 = arith.constant 2 : i32
        %eq3A_355 = arith.constant 0 : i32
        %eq3A_356 = arith.cmpi eq, %jit3A_354, %eq3A_355 : i32
        %jit3A_357 = arith.constant 1 : i32
        %select_n3A_358 = arith.select %eq3A_356, %jit3A_357, %jit3A_354 : i32
        %rem3A_359 = arith.remsi %scan3A_92, %select_n3A_358 : i32
        %ne3A_360 = arith.constant 0 : i32
        %ne3A_361 = arith.cmpi ne, %rem3A_359, %ne3A_360 : i32
        %lt3A_362 = arith.constant 0 : i32
        %lt3A_363 = arith.cmpi slt, %rem3A_359, %lt3A_362 : i32
        %lt3A_364 = arith.constant 0 : i32
        %lt3A_365 = arith.cmpi slt, %select_n3A_358, %lt3A_364 : i32
        %ne3A_366 = arith.xori %lt3A_363, %lt3A_365 : i1
        %and3A_367 = arith.andi %ne3A_366, %ne3A_361 : i1
        %add3A_368 = arith.addi %rem3A_359, %select_n3A_358 : i32
        %select_n3A_369 = arith.select %and3A_367, %add3A_368, %rem3A_359 : i32
        %dma_wait3A_370 = arith.constant 256 : i32
        %dma_wait3A_371 = tpu.memref_slice %arg6[%select_n3A_369, %dma_wait3A_370] : memref<2x768xi32, #tpu.memory_space<vmem>> -> memref<1x128xi32, #tpu.memory_space<vmem>>
        %dma_wait3A_372 = tpu.memref_squeeze %dma_wait3A_371 : memref<1x128xi32, #tpu.memory_space<vmem>> -> memref<128xi32, #tpu.memory_space<vmem>>
        %dma_wait3A_373 = arith.constant 0 : i32
        %dma_wait3A_374 = arith.constant 0 : i32
        %dma_wait3A_375 = tpu.memref_slice %arg5[%dma_wait3A_373, %dma_wait3A_374] : memref<10000x128xf32, #tpu.memory_space<vmem_shared>> -> memref<10000x128xf32, #tpu.memory_space<vmem_shared>>
        tpu.wait_indirect_dma semaphore(%arg14 : memref<!tpu.dma_semaphore, #tpu.memory_space<semaphore_mem>>) src(%arg8 : memref<128x128xf32, #tpu.memory_space<vmem>>) dst(%dma_wait3A_375 : memref<10000x128xf32, #tpu.memory_space<vmem_shared>>)
      } else {
      }
      %lt3A_220 = arith.constant 76 : i32
      %lt3A_221 = arith.cmpi slt, %add3A_185, %lt3A_220 : i32
      %convert_element_type3A_222 = arith.extui %lt3A_221 : i1 to i32
      %cond3A_223 = arith.constant 0 : i32
      %cond3A_224 = arith.cmpi ne, %convert_element_type3A_222, %cond3A_223 : i32
      scf.if %cond3A_224 {
        %add3A_354 = arith.constant 2 : i32
        %add3A_355 = arith.addi %add3A_185, %add3A_354 : i32
        %mul3A_356 = arith.constant 128 : i32
        %mul3A_357 = arith.muli %add3A_355, %mul3A_356 : i32
        %add3A_358 = arith.addi %mul3A_2, %mul3A_357 : i32
        %dma_start3A_359 = arith.constant 0 : i32
        %dma_start3A_360 = tpu.memref_slice %arg2[%add3A_358, %dma_start3A_359] : memref<320000x128xf32, #tpu.memory_space<hbm>> -> memref<128x128xf32, #tpu.memory_space<hbm>>
        %dma_start3A_361 = arith.constant 0 : i32
        %dma_start3A_362 = tpu.memref_slice %arg2[%add3A_358, %dma_start3A_361] : memref<320000x128xf32, #tpu.memory_space<hbm>> -> memref<128x128xf32, #tpu.memory_space<hbm>>
        tpu.enqueue_dma source(%dma_start3A_362 : memref<128x128xf32, #tpu.memory_space<hbm>>) target(%arg8 : memref<128x128xf32, #tpu.memory_space<vmem>>) target_semaphore(%arg11 : memref<!tpu.dma_semaphore, #tpu.memory_space<semaphore_mem>>)
      } else {
      }
      %mul3A_225 = arith.constant 6 : i32
      %mul3A_226 = arith.muli %mul3A_225, %scan3A_92 : i32
      %add3A_227 = arith.constant 3 : i32
      %add3A_228 = arith.addi %mul3A_226, %add3A_227 : i32
      %dma_wait3A_229 = arith.constant 0 : i32
      %dma_wait3A_230 = tpu.memref_slice %arg2[%mul3A_2, %dma_wait3A_229] : memref<320000x128xf32, #tpu.memory_space<hbm>> -> memref<128x128xf32, #tpu.memory_space<hbm>>
      %dma_wait3A_231 = arith.constant 0 : i32
      %dma_wait3A_232 = tpu.memref_slice %arg2[%mul3A_2, %dma_wait3A_231] : memref<320000x128xf32, #tpu.memory_space<hbm>> -> memref<128x128xf32, #tpu.memory_space<hbm>>
      tpu.wait_dma2 semaphore(%arg10 : memref<!tpu.dma_semaphore, #tpu.memory_space<semaphore_mem>>) src(%dma_wait3A_232 : memref<128x128xf32, #tpu.memory_space<hbm>>) dst(%arg7 : memref<128x128xf32, #tpu.memory_space<vmem>>)
      %jit3A_233 = arith.constant 2 : i32
      %eq3A_234 = arith.constant 0 : i32
      %eq3A_235 = arith.cmpi eq, %jit3A_233, %eq3A_234 : i32
      %jit3A_236 = arith.constant 1 : i32
      %select_n3A_237 = arith.select %eq3A_235, %jit3A_236, %jit3A_233 : i32
      %rem3A_238 = arith.remsi %scan3A_92, %select_n3A_237 : i32
      %ne3A_239 = arith.constant 0 : i32
      %ne3A_240 = arith.cmpi ne, %rem3A_238, %ne3A_239 : i32
      %lt3A_241 = arith.constant 0 : i32
      %lt3A_242 = arith.cmpi slt, %rem3A_238, %lt3A_241 : i32
      %lt3A_243 = arith.constant 0 : i32
      %lt3A_244 = arith.cmpi slt, %select_n3A_237, %lt3A_243 : i32
      %ne3A_245 = arith.xori %lt3A_242, %lt3A_244 : i1
      %and3A_246 = arith.andi %ne3A_245, %ne3A_240 : i1
      %add3A_247 = arith.addi %rem3A_238, %select_n3A_237 : i32
      %select_n3A_248 = arith.select %and3A_246, %add3A_247, %rem3A_238 : i32
      %dma_start3A_249 = arith.constant 384 : i32
      %dma_start3A_250 = tpu.memref_slice %arg6[%select_n3A_248, %dma_start3A_249] : memref<2x768xi32, #tpu.memory_space<vmem>> -> memref<1x128xi32, #tpu.memory_space<vmem>>
      %dma_start3A_251 = tpu.memref_squeeze %dma_start3A_250 : memref<1x128xi32, #tpu.memory_space<vmem>> -> memref<128xi32, #tpu.memory_space<vmem>>
      %dma_start3A_252 = arith.constant 0 : i32
      %dma_start3A_253 = arith.constant 0 : i32
      %dma_start3A_254 = tpu.memref_slice %arg5[%dma_start3A_252, %dma_start3A_253] : memref<10000x128xf32, #tpu.memory_space<vmem_shared>> -> memref<10000x128xf32, #tpu.memory_space<vmem_shared>>
      tpu.enqueue_indirect_dma source(%arg7 : memref<128x128xf32, #tpu.memory_space<vmem>>) target(%dma_start3A_254 : memref<10000x128xf32, #tpu.memory_space<vmem_shared>>) offsets(%dma_start3A_251 : memref<128xi32, #tpu.memory_space<vmem>>) semaphore(%arg13 : memref<!tpu.dma_semaphore, #tpu.memory_space<semaphore_mem>>) {add = true}
      %ge3A_255 = arith.constant 1 : i32
      %ge3A_256 = arith.cmpi sge, %add3A_228, %ge3A_255 : i32
      %lt3A_257 = arith.constant 76 : i32
      %lt3A_258 = arith.cmpi slt, %add3A_228, %lt3A_257 : i32
      %and3A_259 = arith.andi %ge3A_256, %lt3A_258 : i1
      %convert_element_type3A_260 = arith.extui %and3A_259 : i1 to i32
      %cond3A_261 = arith.constant 0 : i32
      %cond3A_262 = arith.cmpi ne, %convert_element_type3A_260, %cond3A_261 : i32
      scf.if %cond3A_262 {
        %jit3A_354 = arith.constant 2 : i32
        %eq3A_355 = arith.constant 0 : i32
        %eq3A_356 = arith.cmpi eq, %jit3A_354, %eq3A_355 : i32
        %jit3A_357 = arith.constant 1 : i32
        %select_n3A_358 = arith.select %eq3A_356, %jit3A_357, %jit3A_354 : i32
        %rem3A_359 = arith.remsi %scan3A_92, %select_n3A_358 : i32
        %ne3A_360 = arith.constant 0 : i32
        %ne3A_361 = arith.cmpi ne, %rem3A_359, %ne3A_360 : i32
        %lt3A_362 = arith.constant 0 : i32
        %lt3A_363 = arith.cmpi slt, %rem3A_359, %lt3A_362 : i32
        %lt3A_364 = arith.constant 0 : i32
        %lt3A_365 = arith.cmpi slt, %select_n3A_358, %lt3A_364 : i32
        %ne3A_366 = arith.xori %lt3A_363, %lt3A_365 : i1
        %and3A_367 = arith.andi %ne3A_366, %ne3A_361 : i1
        %add3A_368 = arith.addi %rem3A_359, %select_n3A_358 : i32
        %select_n3A_369 = arith.select %and3A_367, %add3A_368, %rem3A_359 : i32
        %dma_wait3A_370 = arith.constant 384 : i32
        %dma_wait3A_371 = tpu.memref_slice %arg6[%select_n3A_369, %dma_wait3A_370] : memref<2x768xi32, #tpu.memory_space<vmem>> -> memref<1x128xi32, #tpu.memory_space<vmem>>
        %dma_wait3A_372 = tpu.memref_squeeze %dma_wait3A_371 : memref<1x128xi32, #tpu.memory_space<vmem>> -> memref<128xi32, #tpu.memory_space<vmem>>
        %dma_wait3A_373 = arith.constant 0 : i32
        %dma_wait3A_374 = arith.constant 0 : i32
        %dma_wait3A_375 = tpu.memref_slice %arg5[%dma_wait3A_373, %dma_wait3A_374] : memref<10000x128xf32, #tpu.memory_space<vmem_shared>> -> memref<10000x128xf32, #tpu.memory_space<vmem_shared>>
        tpu.wait_indirect_dma semaphore(%arg15 : memref<!tpu.dma_semaphore, #tpu.memory_space<semaphore_mem>>) src(%arg9 : memref<128x128xf32, #tpu.memory_space<vmem>>) dst(%dma_wait3A_375 : memref<10000x128xf32, #tpu.memory_space<vmem_shared>>)
      } else {
      }
      %lt3A_263 = arith.constant 76 : i32
      %lt3A_264 = arith.cmpi slt, %add3A_228, %lt3A_263 : i32
      %convert_element_type3A_265 = arith.extui %lt3A_264 : i1 to i32
      %cond3A_266 = arith.constant 0 : i32
      %cond3A_267 = arith.cmpi ne, %convert_element_type3A_265, %cond3A_266 : i32
      scf.if %cond3A_267 {
        %add3A_354 = arith.constant 2 : i32
        %add3A_355 = arith.addi %add3A_228, %add3A_354 : i32
        %mul3A_356 = arith.constant 128 : i32
        %mul3A_357 = arith.muli %add3A_355, %mul3A_356 : i32
        %add3A_358 = arith.addi %mul3A_2, %mul3A_357 : i32
        %dma_start3A_359 = arith.constant 0 : i32
        %dma_start3A_360 = tpu.memref_slice %arg2[%add3A_358, %dma_start3A_359] : memref<320000x128xf32, #tpu.memory_space<hbm>> -> memref<128x128xf32, #tpu.memory_space<hbm>>
        %dma_start3A_361 = arith.constant 0 : i32
        %dma_start3A_362 = tpu.memref_slice %arg2[%add3A_358, %dma_start3A_361] : memref<320000x128xf32, #tpu.memory_space<hbm>> -> memref<128x128xf32, #tpu.memory_space<hbm>>
        tpu.enqueue_dma source(%dma_start3A_362 : memref<128x128xf32, #tpu.memory_space<hbm>>) target(%arg9 : memref<128x128xf32, #tpu.memory_space<vmem>>) target_semaphore(%arg12 : memref<!tpu.dma_semaphore, #tpu.memory_space<semaphore_mem>>)
      } else {
      }
      %mul3A_268 = arith.constant 6 : i32
      %mul3A_269 = arith.muli %mul3A_268, %scan3A_92 : i32
      %add3A_270 = arith.constant 4 : i32
      %add3A_271 = arith.addi %mul3A_269, %add3A_270 : i32
      %dma_wait3A_272 = arith.constant 0 : i32
      %dma_wait3A_273 = tpu.memref_slice %arg2[%mul3A_2, %dma_wait3A_272] : memref<320000x128xf32, #tpu.memory_space<hbm>> -> memref<128x128xf32, #tpu.memory_space<hbm>>
      %dma_wait3A_274 = arith.constant 0 : i32
      %dma_wait3A_275 = tpu.memref_slice %arg2[%mul3A_2, %dma_wait3A_274] : memref<320000x128xf32, #tpu.memory_space<hbm>> -> memref<128x128xf32, #tpu.memory_space<hbm>>
      tpu.wait_dma2 semaphore(%arg11 : memref<!tpu.dma_semaphore, #tpu.memory_space<semaphore_mem>>) src(%dma_wait3A_275 : memref<128x128xf32, #tpu.memory_space<hbm>>) dst(%arg8 : memref<128x128xf32, #tpu.memory_space<vmem>>)
      %jit3A_276 = arith.constant 2 : i32
      %eq3A_277 = arith.constant 0 : i32
      %eq3A_278 = arith.cmpi eq, %jit3A_276, %eq3A_277 : i32
      %jit3A_279 = arith.constant 1 : i32
      %select_n3A_280 = arith.select %eq3A_278, %jit3A_279, %jit3A_276 : i32
      %rem3A_281 = arith.remsi %scan3A_92, %select_n3A_280 : i32
      %ne3A_282 = arith.constant 0 : i32
      %ne3A_283 = arith.cmpi ne, %rem3A_281, %ne3A_282 : i32
      %lt3A_284 = arith.constant 0 : i32
      %lt3A_285 = arith.cmpi slt, %rem3A_281, %lt3A_284 : i32
      %lt3A_286 = arith.constant 0 : i32
      %lt3A_287 = arith.cmpi slt, %select_n3A_280, %lt3A_286 : i32
      %ne3A_288 = arith.xori %lt3A_285, %lt3A_287 : i1
      %and3A_289 = arith.andi %ne3A_288, %ne3A_283 : i1
      %add3A_290 = arith.addi %rem3A_281, %select_n3A_280 : i32
      %select_n3A_291 = arith.select %and3A_289, %add3A_290, %rem3A_281 : i32
      %dma_start3A_292 = arith.constant 512 : i32
      %dma_start3A_293 = tpu.memref_slice %arg6[%select_n3A_291, %dma_start3A_292] : memref<2x768xi32, #tpu.memory_space<vmem>> -> memref<1x128xi32, #tpu.memory_space<vmem>>
      %dma_start3A_294 = tpu.memref_squeeze %dma_start3A_293 : memref<1x128xi32, #tpu.memory_space<vmem>> -> memref<128xi32, #tpu.memory_space<vmem>>
      %dma_start3A_295 = arith.constant 0 : i32
      %dma_start3A_296 = arith.constant 0 : i32
      %dma_start3A_297 = tpu.memref_slice %arg5[%dma_start3A_295, %dma_start3A_296] : memref<10000x128xf32, #tpu.memory_space<vmem_shared>> -> memref<10000x128xf32, #tpu.memory_space<vmem_shared>>
      tpu.enqueue_indirect_dma source(%arg8 : memref<128x128xf32, #tpu.memory_space<vmem>>) target(%dma_start3A_297 : memref<10000x128xf32, #tpu.memory_space<vmem_shared>>) offsets(%dma_start3A_294 : memref<128xi32, #tpu.memory_space<vmem>>) semaphore(%arg14 : memref<!tpu.dma_semaphore, #tpu.memory_space<semaphore_mem>>) {add = true}
      %ge3A_298 = arith.constant 1 : i32
      %ge3A_299 = arith.cmpi sge, %add3A_271, %ge3A_298 : i32
      %lt3A_300 = arith.constant 76 : i32
      %lt3A_301 = arith.cmpi slt, %add3A_271, %lt3A_300 : i32
      %and3A_302 = arith.andi %ge3A_299, %lt3A_301 : i1
      %convert_element_type3A_303 = arith.extui %and3A_302 : i1 to i32
      %cond3A_304 = arith.constant 0 : i32
      %cond3A_305 = arith.cmpi ne, %convert_element_type3A_303, %cond3A_304 : i32
      scf.if %cond3A_305 {
        %jit3A_354 = arith.constant 2 : i32
        %eq3A_355 = arith.constant 0 : i32
        %eq3A_356 = arith.cmpi eq, %jit3A_354, %eq3A_355 : i32
        %jit3A_357 = arith.constant 1 : i32
        %select_n3A_358 = arith.select %eq3A_356, %jit3A_357, %jit3A_354 : i32
        %rem3A_359 = arith.remsi %scan3A_92, %select_n3A_358 : i32
        %ne3A_360 = arith.constant 0 : i32
        %ne3A_361 = arith.cmpi ne, %rem3A_359, %ne3A_360 : i32
        %lt3A_362 = arith.constant 0 : i32
        %lt3A_363 = arith.cmpi slt, %rem3A_359, %lt3A_362 : i32
        %lt3A_364 = arith.constant 0 : i32
        %lt3A_365 = arith.cmpi slt, %select_n3A_358, %lt3A_364 : i32
        %ne3A_366 = arith.xori %lt3A_363, %lt3A_365 : i1
        %and3A_367 = arith.andi %ne3A_366, %ne3A_361 : i1
        %add3A_368 = arith.addi %rem3A_359, %select_n3A_358 : i32
        %select_n3A_369 = arith.select %and3A_367, %add3A_368, %rem3A_359 : i32
        %dma_wait3A_370 = arith.constant 512 : i32
        %dma_wait3A_371 = tpu.memref_slice %arg6[%select_n3A_369, %dma_wait3A_370] : memref<2x768xi32, #tpu.memory_space<vmem>> -> memref<1x128xi32, #tpu.memory_space<vmem>>
        %dma_wait3A_372 = tpu.memref_squeeze %dma_wait3A_371 : memref<1x128xi32, #tpu.memory_space<vmem>> -> memref<128xi32, #tpu.memory_space<vmem>>
        %dma_wait3A_373 = arith.constant 0 : i32
        %dma_wait3A_374 = arith.constant 0 : i32
        %dma_wait3A_375 = tpu.memref_slice %arg5[%dma_wait3A_373, %dma_wait3A_374] : memref<10000x128xf32, #tpu.memory_space<vmem_shared>> -> memref<10000x128xf32, #tpu.memory_space<vmem_shared>>
        tpu.wait_indirect_dma semaphore(%arg13 : memref<!tpu.dma_semaphore, #tpu.memory_space<semaphore_mem>>) src(%arg7 : memref<128x128xf32, #tpu.memory_space<vmem>>) dst(%dma_wait3A_375 : memref<10000x128xf32, #tpu.memory_space<vmem_shared>>)
      } else {
      }
      %lt3A_306 = arith.constant 76 : i32
      %lt3A_307 = arith.cmpi slt, %add3A_271, %lt3A_306 : i32
      %convert_element_type3A_308 = arith.extui %lt3A_307 : i1 to i32
      %cond3A_309 = arith.constant 0 : i32
      %cond3A_310 = arith.cmpi ne, %convert_element_type3A_308, %cond3A_309 : i32
      scf.if %cond3A_310 {
        %add3A_354 = arith.constant 2 : i32
        %add3A_355 = arith.addi %add3A_271, %add3A_354 : i32
        %mul3A_356 = arith.constant 128 : i32
        %mul3A_357 = arith.muli %add3A_355, %mul3A_356 : i32
        %add3A_358 = arith.addi %mul3A_2, %mul3A_357 : i32
        %dma_start3A_359 = arith.constant 0 : i32
        %dma_start3A_360 = tpu.memref_slice %arg2[%add3A_358, %dma_start3A_359] : memref<320000x128xf32, #tpu.memory_space<hbm>> -> memref<128x128xf32, #tpu.memory_space<hbm>>
        %dma_start3A_361 = arith.constant 0 : i32
        %dma_start3A_362 = tpu.memref_slice %arg2[%add3A_358, %dma_start3A_361] : memref<320000x128xf32, #tpu.memory_space<hbm>> -> memref<128x128xf32, #tpu.memory_space<hbm>>
        tpu.enqueue_dma source(%dma_start3A_362 : memref<128x128xf32, #tpu.memory_space<hbm>>) target(%arg7 : memref<128x128xf32, #tpu.memory_space<vmem>>) target_semaphore(%arg10 : memref<!tpu.dma_semaphore, #tpu.memory_space<semaphore_mem>>)
      } else {
      }
      %mul3A_311 = arith.constant 6 : i32
      %mul3A_312 = arith.muli %mul3A_311, %scan3A_92 : i32
      %add3A_313 = arith.constant 5 : i32
      %add3A_314 = arith.addi %mul3A_312, %add3A_313 : i32
      %dma_wait3A_315 = arith.constant 0 : i32
      %dma_wait3A_316 = tpu.memref_slice %arg2[%mul3A_2, %dma_wait3A_315] : memref<320000x128xf32, #tpu.memory_space<hbm>> -> memref<128x128xf32, #tpu.memory_space<hbm>>
      %dma_wait3A_317 = arith.constant 0 : i32
      %dma_wait3A_318 = tpu.memref_slice %arg2[%mul3A_2, %dma_wait3A_317] : memref<320000x128xf32, #tpu.memory_space<hbm>> -> memref<128x128xf32, #tpu.memory_space<hbm>>
      tpu.wait_dma2 semaphore(%arg12 : memref<!tpu.dma_semaphore, #tpu.memory_space<semaphore_mem>>) src(%dma_wait3A_318 : memref<128x128xf32, #tpu.memory_space<hbm>>) dst(%arg9 : memref<128x128xf32, #tpu.memory_space<vmem>>)
      %jit3A_319 = arith.constant 2 : i32
      %eq3A_320 = arith.constant 0 : i32
      %eq3A_321 = arith.cmpi eq, %jit3A_319, %eq3A_320 : i32
      %jit3A_322 = arith.constant 1 : i32
      %select_n3A_323 = arith.select %eq3A_321, %jit3A_322, %jit3A_319 : i32
      %rem3A_324 = arith.remsi %scan3A_92, %select_n3A_323 : i32
      %ne3A_325 = arith.constant 0 : i32
      %ne3A_326 = arith.cmpi ne, %rem3A_324, %ne3A_325 : i32
      %lt3A_327 = arith.constant 0 : i32
      %lt3A_328 = arith.cmpi slt, %rem3A_324, %lt3A_327 : i32
      %lt3A_329 = arith.constant 0 : i32
      %lt3A_330 = arith.cmpi slt, %select_n3A_323, %lt3A_329 : i32
      %ne3A_331 = arith.xori %lt3A_328, %lt3A_330 : i1
      %and3A_332 = arith.andi %ne3A_331, %ne3A_326 : i1
      %add3A_333 = arith.addi %rem3A_324, %select_n3A_323 : i32
      %select_n3A_334 = arith.select %and3A_332, %add3A_333, %rem3A_324 : i32
      %dma_start3A_335 = arith.constant 640 : i32
      %dma_start3A_336 = tpu.memref_slice %arg6[%select_n3A_334, %dma_start3A_335] : memref<2x768xi32, #tpu.memory_space<vmem>> -> memref<1x128xi32, #tpu.memory_space<vmem>>
      %dma_start3A_337 = tpu.memref_squeeze %dma_start3A_336 : memref<1x128xi32, #tpu.memory_space<vmem>> -> memref<128xi32, #tpu.memory_space<vmem>>
      %dma_start3A_338 = arith.constant 0 : i32
      %dma_start3A_339 = arith.constant 0 : i32
      %dma_start3A_340 = tpu.memref_slice %arg5[%dma_start3A_338, %dma_start3A_339] : memref<10000x128xf32, #tpu.memory_space<vmem_shared>> -> memref<10000x128xf32, #tpu.memory_space<vmem_shared>>
      tpu.enqueue_indirect_dma source(%arg9 : memref<128x128xf32, #tpu.memory_space<vmem>>) target(%dma_start3A_340 : memref<10000x128xf32, #tpu.memory_space<vmem_shared>>) offsets(%dma_start3A_337 : memref<128xi32, #tpu.memory_space<vmem>>) semaphore(%arg15 : memref<!tpu.dma_semaphore, #tpu.memory_space<semaphore_mem>>) {add = true}
      %ge3A_341 = arith.constant 1 : i32
      %ge3A_342 = arith.cmpi sge, %add3A_314, %ge3A_341 : i32
      %lt3A_343 = arith.constant 76 : i32
      %lt3A_344 = arith.cmpi slt, %add3A_314, %lt3A_343 : i32
      %and3A_345 = arith.andi %ge3A_342, %lt3A_344 : i1
      %convert_element_type3A_346 = arith.extui %and3A_345 : i1 to i32
      %cond3A_347 = arith.constant 0 : i32
      %cond3A_348 = arith.cmpi ne, %convert_element_type3A_346, %cond3A_347 : i32
      scf.if %cond3A_348 {
        %jit3A_354 = arith.constant 2 : i32
        %eq3A_355 = arith.constant 0 : i32
        %eq3A_356 = arith.cmpi eq, %jit3A_354, %eq3A_355 : i32
        %jit3A_357 = arith.constant 1 : i32
        %select_n3A_358 = arith.select %eq3A_356, %jit3A_357, %jit3A_354 : i32
        %rem3A_359 = arith.remsi %scan3A_92, %select_n3A_358 : i32
        %ne3A_360 = arith.constant 0 : i32
        %ne3A_361 = arith.cmpi ne, %rem3A_359, %ne3A_360 : i32
        %lt3A_362 = arith.constant 0 : i32
        %lt3A_363 = arith.cmpi slt, %rem3A_359, %lt3A_362 : i32
        %lt3A_364 = arith.constant 0 : i32
        %lt3A_365 = arith.cmpi slt, %select_n3A_358, %lt3A_364 : i32
        %ne3A_366 = arith.xori %lt3A_363, %lt3A_365 : i1
        %and3A_367 = arith.andi %ne3A_366, %ne3A_361 : i1
        %add3A_368 = arith.addi %rem3A_359, %select_n3A_358 : i32
        %select_n3A_369 = arith.select %and3A_367, %add3A_368, %rem3A_359 : i32
        %dma_wait3A_370 = arith.constant 640 : i32
        %dma_wait3A_371 = tpu.memref_slice %arg6[%select_n3A_369, %dma_wait3A_370] : memref<2x768xi32, #tpu.memory_space<vmem>> -> memref<1x128xi32, #tpu.memory_space<vmem>>
        %dma_wait3A_372 = tpu.memref_squeeze %dma_wait3A_371 : memref<1x128xi32, #tpu.memory_space<vmem>> -> memref<128xi32, #tpu.memory_space<vmem>>
        %dma_wait3A_373 = arith.constant 0 : i32
        %dma_wait3A_374 = arith.constant 0 : i32
        %dma_wait3A_375 = tpu.memref_slice %arg5[%dma_wait3A_373, %dma_wait3A_374] : memref<10000x128xf32, #tpu.memory_space<vmem_shared>> -> memref<10000x128xf32, #tpu.memory_space<vmem_shared>>
        tpu.wait_indirect_dma semaphore(%arg14 : memref<!tpu.dma_semaphore, #tpu.memory_space<semaphore_mem>>) src(%arg8 : memref<128x128xf32, #tpu.memory_space<vmem>>) dst(%dma_wait3A_375 : memref<10000x128xf32, #tpu.memory_space<vmem_shared>>)
      } else {
      }
      %lt3A_349 = arith.constant 76 : i32
      %lt3A_350 = arith.cmpi slt, %add3A_314, %lt3A_349 : i32
      %convert_element_type3A_351 = arith.extui %lt3A_350 : i1 to i32
      %cond3A_352 = arith.constant 0 : i32
      %cond3A_353 = arith.cmpi ne, %convert_element_type3A_351, %cond3A_352 : i32
      scf.if %cond3A_353 {
        %add3A_354 = arith.constant 2 : i32
        %add3A_355 = arith.addi %add3A_314, %add3A_354 : i32
        %mul3A_356 = arith.constant 128 : i32
        %mul3A_357 = arith.muli %add3A_355, %mul3A_356 : i32
        %add3A_358 = arith.addi %mul3A_2, %mul3A_357 : i32
        %dma_start3A_359 = arith.constant 0 : i32
        %dma_start3A_360 = tpu.memref_slice %arg2[%add3A_358, %dma_start3A_359] : memref<320000x128xf32, #tpu.memory_space<hbm>> -> memref<128x128xf32, #tpu.memory_space<hbm>>
        %dma_start3A_361 = arith.constant 0 : i32
        %dma_start3A_362 = tpu.memref_slice %arg2[%add3A_358, %dma_start3A_361] : memref<320000x128xf32, #tpu.memory_space<hbm>> -> memref<128x128xf32, #tpu.memory_space<hbm>>
        tpu.enqueue_dma source(%dma_start3A_362 : memref<128x128xf32, #tpu.memory_space<hbm>>) target(%arg8 : memref<128x128xf32, #tpu.memory_space<vmem>>) target_semaphore(%arg11 : memref<!tpu.dma_semaphore, #tpu.memory_space<semaphore_mem>>)
      } else {
      }
    }
    %scan3A_60 = arith.constant 13 : i32
    %dma_wait3A_61 = arith.constant 0 : i32
    %dma_wait3A_62 = arith.constant 0 : i32
    %dma_wait3A_63 = tpu.memref_slice %arg6[%dma_wait3A_61, %dma_wait3A_62] : memref<2x768xi32, #tpu.memory_space<vmem>> -> memref<1x128xi32, #tpu.memory_space<vmem>>
    %dma_wait3A_64 = tpu.memref_squeeze %dma_wait3A_63 : memref<1x128xi32, #tpu.memory_space<vmem>> -> memref<128xi32, #tpu.memory_space<vmem>>
    %dma_wait3A_65 = arith.constant 0 : i32
    %dma_wait3A_66 = arith.constant 0 : i32
    %dma_wait3A_67 = tpu.memref_slice %arg5[%dma_wait3A_65, %dma_wait3A_66] : memref<10000x128xf32, #tpu.memory_space<vmem_shared>> -> memref<10000x128xf32, #tpu.memory_space<vmem_shared>>
    tpu.wait_indirect_dma semaphore(%arg13 : memref<!tpu.dma_semaphore, #tpu.memory_space<semaphore_mem>>) src(%arg7 : memref<128x128xf32, #tpu.memory_space<vmem>>) dst(%dma_wait3A_67 : memref<10000x128xf32, #tpu.memory_space<vmem_shared>>)
    %dma_wait3A_68 = arith.constant 0 : i32
    %dma_wait3A_69 = arith.constant 0 : i32
    %dma_wait3A_70 = tpu.memref_slice %arg6[%dma_wait3A_68, %dma_wait3A_69] : memref<2x768xi32, #tpu.memory_space<vmem>> -> memref<1x128xi32, #tpu.memory_space<vmem>>
    %dma_wait3A_71 = tpu.memref_squeeze %dma_wait3A_70 : memref<1x128xi32, #tpu.memory_space<vmem>> -> memref<128xi32, #tpu.memory_space<vmem>>
    %dma_wait3A_72 = arith.constant 0 : i32
    %dma_wait3A_73 = arith.constant 0 : i32
    %dma_wait3A_74 = tpu.memref_slice %arg5[%dma_wait3A_72, %dma_wait3A_73] : memref<10000x128xf32, #tpu.memory_space<vmem_shared>> -> memref<10000x128xf32, #tpu.memory_space<vmem_shared>>
    tpu.wait_indirect_dma semaphore(%arg14 : memref<!tpu.dma_semaphore, #tpu.memory_space<semaphore_mem>>) src(%arg8 : memref<128x128xf32, #tpu.memory_space<vmem>>) dst(%dma_wait3A_74 : memref<10000x128xf32, #tpu.memory_space<vmem_shared>>)
    %dma_wait3A_75 = arith.constant 0 : i32
    %dma_wait3A_76 = arith.constant 0 : i32
    %dma_wait3A_77 = tpu.memref_slice %arg6[%dma_wait3A_75, %dma_wait3A_76] : memref<2x768xi32, #tpu.memory_space<vmem>> -> memref<1x128xi32, #tpu.memory_space<vmem>>
    %dma_wait3A_78 = tpu.memref_squeeze %dma_wait3A_77 : memref<1x128xi32, #tpu.memory_space<vmem>> -> memref<128xi32, #tpu.memory_space<vmem>>
    %dma_wait3A_79 = arith.constant 0 : i32
    %dma_wait3A_80 = arith.constant 0 : i32
    %dma_wait3A_81 = tpu.memref_slice %arg5[%dma_wait3A_79, %dma_wait3A_80] : memref<10000x128xf32, #tpu.memory_space<vmem_shared>> -> memref<10000x128xf32, #tpu.memory_space<vmem_shared>>
    tpu.wait_indirect_dma semaphore(%arg15 : memref<!tpu.dma_semaphore, #tpu.memory_space<semaphore_mem>>) src(%arg9 : memref<128x128xf32, #tpu.memory_space<vmem>>) dst(%dma_wait3A_81 : memref<10000x128xf32, #tpu.memory_space<vmem_shared>>)
    %lt3A = arith.constant 4 : i32
    %lt3A_82 = arith.cmpi slt, %add3A, %lt3A : i32
    %convert_element_type3A = arith.extui %lt3A_82 : i1 to i32
    %cond3A = arith.constant 0 : i32
    %cond3A_83 = arith.cmpi ne, %convert_element_type3A, %cond3A : i32
    scf.if %cond3A_83 {
      %mul3A_92 = arith.constant 128 : i32
      %mul3A_93 = arith.muli %add3A, %mul3A_92 : i32
      %add3A_94 = arith.constant 319488 : i32
      %add3A_95 = arith.addi %add3A_94, %mul3A_93 : i32
      "tpu.region"() ({
        %run_scoped3A_111 = tpu.sem_alloc : memref<!tpu.dma_semaphore, #tpu.memory_space<semaphore_mem>>
        %dma_start3A_112 = arith.constant 0 : i32
        %dma_start3A_113 = tpu.memref_slice %arg2[%add3A_95, %dma_start3A_112] : memref<320000x128xf32, #tpu.memory_space<hbm>> -> memref<128x128xf32, #tpu.memory_space<hbm>>
        %dma_start3A_114 = arith.constant 0 : i32
        %dma_start3A_115 = tpu.memref_slice %arg2[%add3A_95, %dma_start3A_114] : memref<320000x128xf32, #tpu.memory_space<hbm>> -> memref<128x128xf32, #tpu.memory_space<hbm>>
        tpu.enqueue_dma source(%dma_start3A_115 : memref<128x128xf32, #tpu.memory_space<hbm>>) target(%arg7 : memref<128x128xf32, #tpu.memory_space<vmem>>) target_semaphore(%run_scoped3A_111 : memref<!tpu.dma_semaphore, #tpu.memory_space<semaphore_mem>>)
        %dma_wait3A_116 = arith.constant 0 : i32
        %dma_wait3A_117 = tpu.memref_slice %arg2[%add3A_95, %dma_wait3A_116] : memref<320000x128xf32, #tpu.memory_space<hbm>> -> memref<128x128xf32, #tpu.memory_space<hbm>>
        %dma_wait3A_118 = arith.constant 0 : i32
        %dma_wait3A_119 = tpu.memref_slice %arg2[%add3A_95, %dma_wait3A_118] : memref<320000x128xf32, #tpu.memory_space<hbm>> -> memref<128x128xf32, #tpu.memory_space<hbm>>
        tpu.wait_dma2 semaphore(%run_scoped3A_111 : memref<!tpu.dma_semaphore, #tpu.memory_space<semaphore_mem>>) src(%dma_wait3A_119 : memref<128x128xf32, #tpu.memory_space<hbm>>) dst(%arg7 : memref<128x128xf32, #tpu.memory_space<vmem>>)
        tpu.yield
      }) : () -> ()
      %run_scoped3A = arith.constant 1 : i32
      %run_scoped3A_96 = arith.constant 0 : i32
      "tpu.region"() ({
        %run_scoped3A_111 = tpu.sem_alloc : memref<!tpu.dma_semaphore, #tpu.memory_space<semaphore_mem>>
        %dma_start3A_112 = arith.constant 0 : i32
        %dma_start3A_113 = tpu.memref_slice %arg6[%run_scoped3A_96, %dma_start3A_112] : memref<2x768xi32, #tpu.memory_space<vmem>> -> memref<1x128xi32, #tpu.memory_space<vmem>>
        %dma_start3A_114 = tpu.memref_squeeze %dma_start3A_113 : memref<1x128xi32, #tpu.memory_space<vmem>> -> memref<128xi32, #tpu.memory_space<vmem>>
        %dma_start3A_115 = tpu.memref_slice %arg3[%run_scoped3A, %add3A_95] : memref<2x320000xi32, #tpu.memory_space<hbm>> -> memref<1x128xi32, #tpu.memory_space<hbm>>
        %dma_start3A_116 = tpu.memref_squeeze %dma_start3A_115 : memref<1x128xi32, #tpu.memory_space<hbm>> -> memref<128xi32, #tpu.memory_space<hbm>>
        %dma_start3A_117 = arith.constant 0 : i32
        %dma_start3A_118 = tpu.memref_slice %arg6[%run_scoped3A_96, %dma_start3A_117] : memref<2x768xi32, #tpu.memory_space<vmem>> -> memref<1x128xi32, #tpu.memory_space<vmem>>
        %dma_start3A_119 = tpu.memref_squeeze %dma_start3A_118 : memref<1x128xi32, #tpu.memory_space<vmem>> -> memref<128xi32, #tpu.memory_space<vmem>>
        %dma_start3A_120 = tpu.memref_slice %arg3[%run_scoped3A, %add3A_95] : memref<2x320000xi32, #tpu.memory_space<hbm>> -> memref<1x128xi32, #tpu.memory_space<hbm>>
        %dma_start3A_121 = tpu.memref_squeeze %dma_start3A_120 : memref<1x128xi32, #tpu.memory_space<hbm>> -> memref<128xi32, #tpu.memory_space<hbm>>
        tpu.enqueue_dma source(%dma_start3A_121 : memref<128xi32, #tpu.memory_space<hbm>>) target(%dma_start3A_119 : memref<128xi32, #tpu.memory_space<vmem>>) target_semaphore(%run_scoped3A_111 : memref<!tpu.dma_semaphore, #tpu.memory_space<semaphore_mem>>)
        %dma_wait3A_122 = arith.constant 0 : i32
        %dma_wait3A_123 = tpu.memref_slice %arg6[%run_scoped3A_96, %dma_wait3A_122] : memref<2x768xi32, #tpu.memory_space<vmem>> -> memref<1x128xi32, #tpu.memory_space<vmem>>
        %dma_wait3A_124 = tpu.memref_squeeze %dma_wait3A_123 : memref<1x128xi32, #tpu.memory_space<vmem>> -> memref<128xi32, #tpu.memory_space<vmem>>
        %dma_wait3A_125 = tpu.memref_slice %arg3[%run_scoped3A, %add3A_95] : memref<2x320000xi32, #tpu.memory_space<hbm>> -> memref<1x128xi32, #tpu.memory_space<hbm>>
        %dma_wait3A_126 = tpu.memref_squeeze %dma_wait3A_125 : memref<1x128xi32, #tpu.memory_space<hbm>> -> memref<128xi32, #tpu.memory_space<hbm>>
        %dma_wait3A_127 = arith.constant 0 : i32
        %dma_wait3A_128 = tpu.memref_slice %arg6[%run_scoped3A_96, %dma_wait3A_127] : memref<2x768xi32, #tpu.memory_space<vmem>> -> memref<1x128xi32, #tpu.memory_space<vmem>>
        %dma_wait3A_129 = tpu.memref_squeeze %dma_wait3A_128 : memref<1x128xi32, #tpu.memory_space<vmem>> -> memref<128xi32, #tpu.memory_space<vmem>>
        %dma_wait3A_130 = tpu.memref_slice %arg3[%run_scoped3A, %add3A_95] : memref<2x320000xi32, #tpu.memory_space<hbm>> -> memref<1x128xi32, #tpu.memory_space<hbm>>
        %dma_wait3A_131 = tpu.memref_squeeze %dma_wait3A_130 : memref<1x128xi32, #tpu.memory_space<hbm>> -> memref<128xi32, #tpu.memory_space<hbm>>
        tpu.wait_dma2 semaphore(%run_scoped3A_111 : memref<!tpu.dma_semaphore, #tpu.memory_space<semaphore_mem>>) src(%dma_wait3A_131 : memref<128xi32, #tpu.memory_space<hbm>>) dst(%dma_wait3A_129 : memref<128xi32, #tpu.memory_space<vmem>>)
        tpu.yield
      }) : () -> ()
      %dma_start3A_97 = arith.constant 0 : i32
      %dma_start3A_98 = arith.constant 0 : i32
      %dma_start3A_99 = tpu.memref_slice %arg6[%dma_start3A_97, %dma_start3A_98] : memref<2x768xi32, #tpu.memory_space<vmem>> -> memref<1x128xi32, #tpu.memory_space<vmem>>
      %dma_start3A_100 = tpu.memref_squeeze %dma_start3A_99 : memref<1x128xi32, #tpu.memory_space<vmem>> -> memref<128xi32, #tpu.memory_space<vmem>>
      %dma_start3A_101 = arith.constant 0 : i32
      %dma_start3A_102 = arith.constant 0 : i32
      %dma_start3A_103 = tpu.memref_slice %arg5[%dma_start3A_101, %dma_start3A_102] : memref<10000x128xf32, #tpu.memory_space<vmem_shared>> -> memref<10000x128xf32, #tpu.memory_space<vmem_shared>>
      tpu.enqueue_indirect_dma source(%arg7 : memref<128x128xf32, #tpu.memory_space<vmem>>) target(%dma_start3A_103 : memref<10000x128xf32, #tpu.memory_space<vmem_shared>>) offsets(%dma_start3A_100 : memref<128xi32, #tpu.memory_space<vmem>>) semaphore(%arg13 : memref<!tpu.dma_semaphore, #tpu.memory_space<semaphore_mem>>) {add = true}
      %dma_wait3A_104 = arith.constant 0 : i32
      %dma_wait3A_105 = arith.constant 0 : i32
      %dma_wait3A_106 = tpu.memref_slice %arg6[%dma_wait3A_104, %dma_wait3A_105] : memref<2x768xi32, #tpu.memory_space<vmem>> -> memref<1x128xi32, #tpu.memory_space<vmem>>
      %dma_wait3A_107 = tpu.memref_squeeze %dma_wait3A_106 : memref<1x128xi32, #tpu.memory_space<vmem>> -> memref<128xi32, #tpu.memory_space<vmem>>
      %dma_wait3A_108 = arith.constant 0 : i32
      %dma_wait3A_109 = arith.constant 0 : i32
      %dma_wait3A_110 = tpu.memref_slice %arg5[%dma_wait3A_108, %dma_wait3A_109] : memref<10000x128xf32, #tpu.memory_space<vmem_shared>> -> memref<10000x128xf32, #tpu.memory_space<vmem_shared>>
      tpu.wait_indirect_dma semaphore(%arg13 : memref<!tpu.dma_semaphore, #tpu.memory_space<semaphore_mem>>) src(%arg7 : memref<128x128xf32, #tpu.memory_space<vmem>>) dst(%dma_wait3A_110 : memref<10000x128xf32, #tpu.memory_space<vmem_shared>>)
    } else {
    }
    %barrier3A_84 = arith.constant 0 : index
    tpu.barrier barrier_id(%barrier3A_84)
    %mul3A_85 = arith.constant 10000 : i32
    %mul3A_86 = arith.muli %arg0, %mul3A_85 : i32
    %mul3A_87 = arith.constant 625 : i32
    %mul3A_88 = arith.muli %arg1, %mul3A_87 : i32
    %add3A_89 = arith.addi %mul3A_86, %mul3A_88 : i32
    %mul3A_90 = arith.constant 625 : i32
    %mul3A_91 = arith.muli %arg1, %mul3A_90 : i32
    "tpu.region"() ({
      %run_scoped3A = tpu.sem_alloc : memref<!tpu.dma_semaphore, #tpu.memory_space<semaphore_mem>>
      %dma_start3A_92 = arith.constant 0 : i32
      %dma_start3A_93 = tpu.memref_slice %arg4[%add3A_89, %dma_start3A_92] : memref<20000x128xf32, #tpu.memory_space<hbm>> -> memref<625x128xf32, #tpu.memory_space<hbm>>
      %dma_start3A_94 = arith.constant 0 : i32
      %dma_start3A_95 = tpu.memref_slice %arg5[%mul3A_91, %dma_start3A_94] : memref<10000x128xf32, #tpu.memory_space<vmem_shared>> -> memref<625x128xf32, #tpu.memory_space<vmem_shared>>
      tpu.enqueue_dma source(%dma_start3A_95 : memref<625x128xf32, #tpu.memory_space<vmem_shared>>) target(%dma_start3A_93 : memref<625x128xf32, #tpu.memory_space<hbm>>) target_semaphore(%run_scoped3A : memref<!tpu.dma_semaphore, #tpu.memory_space<semaphore_mem>>)
      %dma_wait3A_96 = arith.constant 0 : i32
      %dma_wait3A_97 = tpu.memref_slice %arg4[%add3A_89, %dma_wait3A_96] : memref<20000x128xf32, #tpu.memory_space<hbm>> -> memref<625x128xf32, #tpu.memory_space<hbm>>
      %dma_wait3A_98 = arith.constant 0 : i32
      %dma_wait3A_99 = tpu.memref_slice %arg5[%mul3A_91, %dma_wait3A_98] : memref<10000x128xf32, #tpu.memory_space<vmem_shared>> -> memref<625x128xf32, #tpu.memory_space<vmem_shared>>
      tpu.wait_dma2 semaphore(%run_scoped3A : memref<!tpu.dma_semaphore, #tpu.memory_space<semaphore_mem>>) src(%dma_wait3A_99 : memref<625x128xf32, #tpu.memory_space<vmem_shared>>) dst(%dma_wait3A_97 : memref<625x128xf32, #tpu.memory_space<hbm>>)
      tpu.yield
    }) : () -> ()
    return
  }
}

module attributes {stable_mosaic.version = 14 : i64} {
  func.func @_mlp_body(%arg0: i32, %arg1: memref<2x5000x128xf32, #tpu.memory_space<vmem>>, %arg2: memref<5000x128xf32, #tpu.memory_space<vmem>>, %arg3: memref<128x128xf32, #tpu.memory_space<vmem>>, %arg4: memref<128x128xf32, #tpu.memory_space<vmem>>, %arg5: memref<1x128xf32, #tpu.memory_space<vmem>>, %arg6: memref<128x128xf32, #tpu.memory_space<vmem>>, %arg7: memref<1x128xf32, #tpu.memory_space<vmem>>, %arg8: memref<1x128xf32, #tpu.memory_space<vmem>>, %arg9: memref<1x128xf32, #tpu.memory_space<vmem>>, %arg10: memref<5000x128xf32, #tpu.memory_space<vmem>>) attributes {dimension_semantics = [#tpu.dimension_semantics<arbitrary>], iteration_bounds = array<i64: 2>, scalar_prefetch = 0 : i64, scratch_operands = 0 : i64, tpu.core_type = #tpu.core_type<tc>, window_params = [{transform_indices = @transform_0, window_bounds = array<i64: 2, 5000, 128>}, {transform_indices = @transform_1, window_bounds = array<i64: 5000, 128>}, {pipeline_mode = #tpu.pipeline_mode<synchronous>, transform_indices = @transform_2, window_bounds = array<i64: 128, 128>}, {pipeline_mode = #tpu.pipeline_mode<synchronous>, transform_indices = @transform_3, window_bounds = array<i64: 128, 128>}, {pipeline_mode = #tpu.pipeline_mode<synchronous>, transform_indices = @transform_4, window_bounds = array<i64: 1, 128>}, {pipeline_mode = #tpu.pipeline_mode<synchronous>, transform_indices = @transform_5, window_bounds = array<i64: 128, 128>}, {pipeline_mode = #tpu.pipeline_mode<synchronous>, transform_indices = @transform_6, window_bounds = array<i64: 1, 128>}, {pipeline_mode = #tpu.pipeline_mode<synchronous>, transform_indices = @transform_7, window_bounds = array<i64: 1, 128>}, {pipeline_mode = #tpu.pipeline_mode<synchronous>, transform_indices = @transform_8, window_bounds = array<i64: 1, 128>}, {transform_indices = @transform_9, window_bounds = array<i64: 5000, 128>}]} {
    %get3A = arith.constant 0 : index
    %get3A_0 = arith.constant 0 : index
    %get3A_1 = arith.constant 0 : index
    %get3A_2 = vector.load %arg1[%get3A, %get3A_0, %get3A_1] : memref<2x5000x128xf32, #tpu.memory_space<vmem>>, vector<1x5000x128xf32>
    %get3A_3 = vector.shape_cast %get3A_2 : vector<1x5000x128xf32> to vector<5000x128xf32>
    %get3A_4 = arith.constant 1 : index
    %get3A_5 = arith.constant 0 : index
    %get3A_6 = arith.constant 0 : index
    %get3A_7 = vector.load %arg1[%get3A_4, %get3A_5, %get3A_6] : memref<2x5000x128xf32, #tpu.memory_space<vmem>>, vector<1x5000x128xf32>
    %get3A_8 = vector.shape_cast %get3A_7 : vector<1x5000x128xf32> to vector<5000x128xf32>
    %add3A = arith.addf %get3A_3, %get3A_8 : vector<5000x128xf32>
    %get3A_9 = arith.constant 0 : index
    %get3A_10 = arith.constant 0 : index
    %get3A_11 = vector.load %arg2[%get3A_9, %get3A_10] : memref<5000x128xf32, #tpu.memory_space<vmem>>, vector<5000x128xf32>
    %get3A_12 = arith.constant 0 : index
    %get3A_13 = arith.constant 0 : index
    %get3A_14 = vector.load %arg3[%get3A_12, %get3A_13] : memref<128x128xf32, #tpu.memory_space<vmem>>, vector<128x128xf32>
    %dot_general3A = arith.constant dense<0.000000e+00> : vector<5000x128xf32>
    %dot_general3A_15 = tpu.matmul %add3A, %get3A_14, %dot_general3A {dimension_numbers = #tpu.dot_dimension_numbers<[1], [0], [0], [1], [0, 0, 1, 1], [], []>, transpose_lhs_hint = false} : vector<5000x128xf32>, vector<128x128xf32>, vector<5000x128xf32> -> vector<5000x128xf32>
    %get3A_16 = arith.constant 0 : index
    %get3A_17 = arith.constant 0 : index
    %get3A_18 = vector.load %arg4[%get3A_16, %get3A_17] : memref<128x128xf32, #tpu.memory_space<vmem>>, vector<128x128xf32>
    %dot_general3A_19 = arith.constant dense<0.000000e+00> : vector<5000x128xf32>
    %dot_general3A_20 = tpu.matmul %get3A_11, %get3A_18, %dot_general3A_19 {dimension_numbers = #tpu.dot_dimension_numbers<[1], [0], [0], [1], [0, 0, 1, 1], [], []>, transpose_lhs_hint = false} : vector<5000x128xf32>, vector<128x128xf32>, vector<5000x128xf32> -> vector<5000x128xf32>
    %add3A_21 = arith.addf %dot_general3A_15, %dot_general3A_20 : vector<5000x128xf32>
    %get3A_22 = arith.constant 0 : index
    %get3A_23 = arith.constant 0 : index
    %get3A_24 = vector.load %arg5[%get3A_22, %get3A_23] : memref<1x128xf32, #tpu.memory_space<vmem>>, vector<1x128xf32>
    %add3A_25 = vector.broadcast %get3A_24 : vector<1x128xf32> to vector<5000x128xf32>
    %add3A_26 = arith.addf %add3A_21, %add3A_25 : vector<5000x128xf32>
    %logistic3A = arith.negf %add3A_26 : vector<5000x128xf32>
    %logistic3A_27 = math.exp %logistic3A : vector<5000x128xf32>
    %logistic3A_28 = arith.constant 1.000000e+00 : f32
    %logistic3A_29 = vector.broadcast %logistic3A_28 : f32 to vector<5000x128xf32>
    %logistic3A_30 = arith.addf %logistic3A_29, %logistic3A_27 : vector<5000x128xf32>
    %logistic3A_31 = arith.divf %logistic3A_29, %logistic3A_30 : vector<5000x128xf32>
    %mul3A = arith.mulf %add3A_26, %logistic3A_31 : vector<5000x128xf32>
    %get3A_32 = arith.constant 0 : index
    %get3A_33 = arith.constant 0 : index
    %get3A_34 = vector.load %arg6[%get3A_32, %get3A_33] : memref<128x128xf32, #tpu.memory_space<vmem>>, vector<128x128xf32>
    %dot_general3A_35 = arith.constant dense<0.000000e+00> : vector<5000x128xf32>
    %dot_general3A_36 = tpu.matmul %mul3A, %get3A_34, %dot_general3A_35 {dimension_numbers = #tpu.dot_dimension_numbers<[1], [0], [0], [1], [0, 0, 1, 1], [], []>, transpose_lhs_hint = false} : vector<5000x128xf32>, vector<128x128xf32>, vector<5000x128xf32> -> vector<5000x128xf32>
    %get3A_37 = arith.constant 0 : index
    %get3A_38 = arith.constant 0 : index
    %get3A_39 = vector.load %arg7[%get3A_37, %get3A_38] : memref<1x128xf32, #tpu.memory_space<vmem>>, vector<1x128xf32>
    %add3A_40 = vector.broadcast %get3A_39 : vector<1x128xf32> to vector<5000x128xf32>
    %add3A_41 = arith.addf %dot_general3A_36, %add3A_40 : vector<5000x128xf32>
    %reduce_sum3A = arith.constant dense<0.000000e+00> : vector<5000xf32>
    %reduce_sum3A_42 = vector.multi_reduction <add>, %add3A_41, %reduce_sum3A [1] : vector<5000x128xf32> to vector<5000xf32>
    %broadcast_in_dim3A = vector.shape_cast %reduce_sum3A_42 : vector<5000xf32> to vector<5000x1xf32>
    %div3A = arith.constant 1.280000e+02 : f32
    %div3A_43 = vector.broadcast %div3A : f32 to vector<5000x1xf32>
    %div3A_44 = arith.divf %broadcast_in_dim3A, %div3A_43 : vector<5000x1xf32>
    %sub3A = vector.broadcast %div3A_44 : vector<5000x1xf32> to vector<5000x128xf32>
    %sub3A_45 = arith.subf %add3A_41, %sub3A : vector<5000x128xf32>
    %mul3A_46 = arith.mulf %sub3A_45, %sub3A_45 : vector<5000x128xf32>
    %reduce_sum3A_47 = arith.constant dense<0.000000e+00> : vector<5000xf32>
    %reduce_sum3A_48 = vector.multi_reduction <add>, %mul3A_46, %reduce_sum3A_47 [1] : vector<5000x128xf32> to vector<5000xf32>
    %broadcast_in_dim3A_49 = vector.shape_cast %reduce_sum3A_48 : vector<5000xf32> to vector<5000x1xf32>
    %div3A_50 = arith.constant 1.280000e+02 : f32
    %div3A_51 = vector.broadcast %div3A_50 : f32 to vector<5000x1xf32>
    %div3A_52 = arith.divf %broadcast_in_dim3A_49, %div3A_51 : vector<5000x1xf32>
    %add3A_53 = arith.constant 9.99999974E-6 : f32
    %add3A_54 = vector.broadcast %add3A_53 : f32 to vector<5000x1xf32>
    %add3A_55 = arith.addf %div3A_52, %add3A_54 : vector<5000x1xf32>
    %rsqrt3A = math.rsqrt %add3A_55 : vector<5000x1xf32>
    %mul3A_56 = vector.broadcast %rsqrt3A : vector<5000x1xf32> to vector<5000x128xf32>
    %mul3A_57 = arith.mulf %sub3A_45, %mul3A_56 : vector<5000x128xf32>
    %get3A_58 = arith.constant 0 : index
    %get3A_59 = arith.constant 0 : index
    %get3A_60 = vector.load %arg8[%get3A_58, %get3A_59] : memref<1x128xf32, #tpu.memory_space<vmem>>, vector<1x128xf32>
    %mul3A_61 = vector.broadcast %get3A_60 : vector<1x128xf32> to vector<5000x128xf32>
    %mul3A_62 = arith.mulf %mul3A_57, %mul3A_61 : vector<5000x128xf32>
    %get3A_63 = arith.constant 0 : index
    %get3A_64 = arith.constant 0 : index
    %get3A_65 = vector.load %arg9[%get3A_63, %get3A_64] : memref<1x128xf32, #tpu.memory_space<vmem>>, vector<1x128xf32>
    %add3A_66 = vector.broadcast %get3A_65 : vector<1x128xf32> to vector<5000x128xf32>
    %add3A_67 = arith.addf %mul3A_62, %add3A_66 : vector<5000x128xf32>
    %add3A_68 = arith.addf %add3A_67, %get3A_11 : vector<5000x128xf32>
    %swap3A = arith.constant 0 : index
    %swap3A_69 = arith.constant 0 : index
    %swap3A_70 = vector.load %arg10[%swap3A, %swap3A_69] : memref<5000x128xf32, #tpu.memory_space<vmem>>, vector<5000x128xf32>
    tpu.vector_store %arg10[%swap3A, %swap3A_69], %add3A_68 {strides = array<i32>} : memref<5000x128xf32, #tpu.memory_space<vmem>>, vector<5000x128xf32>,
    return
  }
  func.func @transform_0(%arg0: i32) -> (i32, i32, i32) {
    %c0_i32 = arith.constant 0 : i32
    %c0_i32_0 = arith.constant 0 : i32
    %c0_i32_1 = arith.constant 0 : i32
    return %c0_i32, %arg0, %c0_i32_0 : i32, i32, i32
  }
  func.func @transform_1(%arg0: i32) -> (i32, i32) {
    %c0_i32 = arith.constant 0 : i32
    %c0_i32_0 = arith.constant 0 : i32
    return %arg0, %c0_i32 : i32, i32
  }
  func.func @transform_2(%arg0: i32) -> (i32, i32) {
    %c0_i32 = arith.constant 0 : i32
    %c0_i32_0 = arith.constant 0 : i32
    %c0_i32_1 = arith.constant 0 : i32
    return %c0_i32, %c0_i32_0 : i32, i32
  }
  func.func @transform_3(%arg0: i32) -> (i32, i32) {
    %c0_i32 = arith.constant 0 : i32
    %c0_i32_0 = arith.constant 0 : i32
    %c0_i32_1 = arith.constant 0 : i32
    return %c0_i32, %c0_i32_0 : i32, i32
  }
  func.func @transform_4(%arg0: i32) -> (i32, i32) {
    %c0_i32 = arith.constant 0 : i32
    %c0_i32_0 = arith.constant 0 : i32
    %c0_i32_1 = arith.constant 0 : i32
    return %c0_i32, %c0_i32_0 : i32, i32
  }
  func.func @transform_5(%arg0: i32) -> (i32, i32) {
    %c0_i32 = arith.constant 0 : i32
    %c0_i32_0 = arith.constant 0 : i32
    %c0_i32_1 = arith.constant 0 : i32
    return %c0_i32, %c0_i32_0 : i32, i32
  }
  func.func @transform_6(%arg0: i32) -> (i32, i32) {
    %c0_i32 = arith.constant 0 : i32
    %c0_i32_0 = arith.constant 0 : i32
    %c0_i32_1 = arith.constant 0 : i32
    return %c0_i32, %c0_i32_0 : i32, i32
  }
  func.func @transform_7(%arg0: i32) -> (i32, i32) {
    %c0_i32 = arith.constant 0 : i32
    %c0_i32_0 = arith.constant 0 : i32
    %c0_i32_1 = arith.constant 0 : i32
    return %c0_i32, %c0_i32_0 : i32, i32
  }
  func.func @transform_8(%arg0: i32) -> (i32, i32) {
    %c0_i32 = arith.constant 0 : i32
    %c0_i32_0 = arith.constant 0 : i32
    %c0_i32_1 = arith.constant 0 : i32
    return %c0_i32, %c0_i32_0 : i32, i32
  }
  func.func @transform_9(%arg0: i32) -> (i32, i32) {
    %c0_i32 = arith.constant 0 : i32
    %c0_i32_0 = arith.constant 0 : i32
    return %arg0, %c0_i32 : i32, i32
  }
}

</mosaic_0001>

<sc_bundles>
// kernel: kernel.4.cloned.1.call-start
scs
__scs_entry_jumppad:
0x0: {  	(pc) =	sbr.rel $0x88, $3  }
0x1: {  	(tag) =	ssettag $0x0;
	lr =	simm.s32 $0x1  }
0x2: {  	[smem:$0x3F98] =	sst lr;
	_ =	strace $0xD0000000  }
0x3: {  	_ = 	snop  }
0x4: {  	_ = 	snop  }
0x5: {  	_ = 	snop  }
0x6: {  	_ = 	snop  }
0x7: {  	_ = 	snop  }
__scs_overlays_trampoline_lowered:
0x8: {  	[smem:$0x3FA7] =	sst s0  }
0x9: {  	[smem:$0x3FA8] =	sst s1  }
0xa: {  	[smem:$0x3FA9] =	sst s2  }
0xb: {  	[smem:$0x3FAA] =	sst s3  }
0xc: {  	[smem:$0x3FAB] =	sst s4  }
0xd: {  	[smem:$0x3FAC] =	sst s5  }
0xe: {  	[smem:$0x3FAD] =	sst s6  }
0xf: {  	[smem:$0x3FAE] =	sst s7  }
0x10: {  	[smem:$0x3FAF] =	sst s8  }
0x11: {  	[smem:$0x3FB0] =	sst s9;
	s0 =	simm.s32 @!p0 $0x0  }
0x12: {  	s1 =	sld [smem:$0x3F96];
	s0 =	simm.s32 @p0 $0x1  }
0x13: {  	[smem:$0x3FB1] =	sst s0;
	s0 =	simm.s32 @!p1 $0x0  }
0x14: {  	s2 =	sld [smem:$0x3F95];
	s0 =	simm.s32 @p1 $0x1  }
0x15: {  	[smem:$0x3FB2] =	sst s0;
	s0 =	simm.s32 @!p2 $0x0  }
0x16: {  	s3 =	sld [smem:$0x3FDB];
	s0 =	simm.s32 @p2 $0x1  }
0x17: {  	s4 =	simm.s32 $0x1BF5;
	[smem:$0x3FB4] =	sst s0  }
0x18: {  	s0 =	sld [smem:$0x3F97];
	_ =	swait.ge [sflag:s4], $0x0  }
0x19: {  	s7 =	sld [smem:$0x3F98]  }
0x1a: {  	s8 =	sadd.s32 $0xFFFFE003, lr  }
0x1b: {  	s9 =	sadd.s32 $0xFFFFFEF7, lr;
	s5 =	simm.s32 $0xFFFFFFFF;
	p2 =	slt.u32 s8, $0xFFFFF086  }
0x1c: {  	p1 =	slt.u32 s9, $0xF7A;
	s5 =	simm.s32 @!p2 $0x0  }
0x1d: {  	s5 =	simm.s32 @p1 $0x1;
	p0 =	seq.s32 s7, s2  }
0x1e: {  	s7 =	smul.u32 @!p0 $0xF7A, s2;
	p2 =	seq.s32 @!p0 s5, $0x0  }
0x1f: {  	s9 =	smul.u32 $0xF7A, s1;
	s8 =	simm.s32 @!p0 $0x1BF5;
	p2 =	por !p2, p0  }
0x20: {  	[sflag:s8] =	ssyncset.s32 @!p0 $0xFFFFF086;
	s6 =	sadd.s32 @!p0 s3, s7;
	s7 =	simm.s32 @!p0 $0x108  }
0x21: {  	s3 =	sadd.s32 s3, s9;
	s6 =	sadd.s32 @!p0 $0x88, s6;
	s7 =	simm.s32 @p2 $0x1082  }
0x22: {  	[simem:s7], [sflag:s8] =	dma.local @!p0 [hbm:s6], $0xF7A  }
0x23: {  	s9 =	sor.u32 $0xD0000000, s2;
	s6 =	simm.s32 $0x108;
	_ =	swait.ge @!p0 [sflag:s8], $0x0  }
0x24: {  	s3 =	sadd.s32 $0x88, s3;
	s6 =	simm.s32 @!p1 $0x1082;
	[sflag:s4] =	ssyncset.s32 $0xFFFFF086  }
0x25: {  	[simem:s6], [sflag:s4] =	dma.local [hbm:s3], $0xF7A  }
0x26: {  	[smem:$0x3F98] =	sst s1;
	(tag) =	ssettag s2;
	_ =	strace s9  }
0x27: {  	s1 =	sld [smem:$0x3FA8]  }
0x28: {  	s2 =	sld [smem:$0x3FA9]  }
0x29: {  	s4 =	sld [smem:$0x3FAB]  }
0x2a: {  	p0 =	seq.s32 s5, $0x0;
	s5 =	sld [smem:$0x3FAC]  }
0x2b: {  	s6 =	sld [smem:$0x3FAD]  }
0x2c: {  	s7 =	sld [smem:$0x3FAE]  }
0x2d: {  	s3 =	simm.s32 $0x108;
	s8 =	sld [smem:$0x3FAF]  }
0x2e: {  	s3 =	simm.s32 @!p0 $0x1082;
	s9 =	sld [smem:$0x3FB0]  }
0x2f: {  	lr =	sadd.s32 s0, s3;
	s0 =	sld [smem:$0x3FA7]  }
0x30: {  	s3 =	sld [smem:$0x3FAA]  }
0x31: {  	[smem:$0x3FB3] =	sst s10  }
0x32: {  	s10 =	sld [smem:$0x3FB1];
	_ =	sdelay $0x3  }
0x33: {  	p0 =	seq.s32 s10, $0x1;
	s10 =	sld [smem:$0x3FB3];
	_ =	sdelay $0x3  }
0x34: {  	[smem:$0x3FB3] =	sst s10  }
0x35: {  	s10 =	sld [smem:$0x3FB2];
	_ =	sdelay $0x3  }
0x36: {  	p1 =	seq.s32 s10, $0x1;
	s10 =	sld [smem:$0x3FB3];
	_ =	sdelay $0x3  }
0x37: {  	[smem:$0x3FB3] =	sst s10  }
0x38: {  	s10 =	sld [smem:$0x3FB4]  }
0x39: {  	_ = 	snop;
	(pc) =	sbr.ind lr, $3  }
0x3a: {  	_ = 	snop  }
0x3b: {  	_ = 	snop  }
0x3c: {  	p2 =	seq.s32 s10, $0x1;
	s10 =	sld [smem:$0x3FB3]  }
0x3d: {  	_ =	shalt  }
0x3e: {  	_ =	shalt  }
0x3f: {  	_ =	shalt  }
0x40: {  	_ =	shalt  }
0x41: {  	_ =	shalt  }
0x42: {  	_ =	shalt  }
0x43: {  	_ =	shalt  }
0x44: {  	_ =	shalt  }
0x45: {  	_ =	shalt  }
0x46: {  	_ =	shalt  }
0x47: {  	_ =	shalt  }
0x48: {  	_ =	shalt  }
0x49: {  	_ =	shalt  }
0x4a: {  	_ =	shalt  }
0x4b: {  	_ =	shalt  }
0x4c: {  	_ =	shalt  }
0x4d: {  	_ =	shalt  }
0x4e: {  	_ =	shalt  }
0x4f: {  	_ =	shalt  }
0x50: {  	_ =	shalt  }
0x51: {  	_ =	shalt  }
0x52: {  	_ =	shalt  }
0x53: {  	_ =	shalt  }
0x54: {  	_ =	shalt  }
0x55: {  	_ =	shalt  }
0x56: {  	_ =	shalt  }
0x57: {  	_ =	shalt  }
0x58: {  	_ =	shalt  }
0x59: {  	_ =	shalt  }
0x5a: {  	_ =	shalt  }
0x5b: {  	_ =	shalt  }
0x5c: {  	_ =	shalt  }
0x5d: {  	_ =	shalt  }
0x5e: {  	_ =	shalt  }
0x5f: {  	_ =	shalt  }
0x60: {  	_ =	shalt  }
0x61: {  	_ =	shalt  }
0x62: {  	_ =	shalt  }
0x63: {  	_ =	shalt  }
0x64: {  	_ =	shalt  }
0x65: {  	_ =	shalt  }
0x66: {  	_ =	shalt  }
0x67: {  	_ =	shalt  }
0x68: {  	_ =	shalt  }
0x69: {  	_ =	shalt  }
0x6a: {  	_ =	shalt  }
0x6b: {  	_ =	shalt  }
0x6c: {  	_ =	shalt  }
0x6d: {  	_ =	shalt  }
0x6e: {  	_ =	shalt  }
0x6f: {  	_ =	shalt  }
0x70: {  	_ =	shalt  }
0x71: {  	_ =	shalt  }
0x72: {  	_ =	shalt  }
0x73: {  	_ =	shalt  }
0x74: {  	_ =	shalt  }
0x75: {  	_ =	shalt  }
0x76: {  	_ =	shalt  }
0x77: {  	_ =	shalt  }
0x78: {  	_ =	shalt  }
0x79: {  	_ =	shalt  }
0x7a: {  	_ =	shalt  }
0x7b: {  	_ =	shalt  }
0x7c: {  	_ =	shalt  }
0x7d: {  	_ =	shalt  }
0x7e: {  	_ =	shalt  }
0x7f: {  	_ =	shalt  }
0x80: {  	_ =	shalt  }
0x81: {  	_ =	shalt  }
0x82: {  	_ =	shalt  }
0x83: {  	_ =	shalt  }
0x84: {  	_ =	shalt  }
0x85: {  	_ =	shalt  }
0x86: {  	_ =	shalt  }
0x87: {  	_ =	shalt  }
.Lfunc_end0:
.L_simem_size_0:
called_computation_lowered:
.L_overlay_start_0:
0x88: {  	s2 =	sld [smem:$0x3FD9]  }
0x89: {  	s3 =	sld [smem:$0x3FFE];
	_ =	sdelay $0x1  }
0x8a: {  	s1 =	srdreg.scid  }
0x8b: {  	s0 =	sand.u32 $0x1, s1  }
0x8c: {  	s17 =	sshll.u32 s0, $0xA;
	s2 =	sadd.s32 s3, s2  }
0x8d: {  	s2 =	sadd.s32 s2, s17  }
0x8e: {  	[smem:$0x3FBF] =	sst s2  }
0x8f: {  	_ = 	snop  }
0x90: {  	s2 =	sld [smem:$0x3FC9]  }
0x91: {  	s18 =	sld [smem:$0x3FD0];
	(tm) =	ssettm $0x1  }
0x92: {  	s4 =	sld [smem:$0x3FFB];
	_ =	sdelay $0x3  }
0x93: {  	_ =	strace s4  }
0x94: {  	s4 =	sld [smem:$0x3FFC];
	_ =	sdelay $0x3  }
0x95: {  	_ =	strace s4  }
0x96: {  	s4 =	sld [smem:$0x3FFD];
	_ =	sdelay $0x3  }
0x97: {  	_ =	strace s4  }
0x98: {  	_ =	strace $0x8FFFFFFF  }
0x99: {  	s19 =	sld [smem:$0x3FDB];
	_ =	sdelay $0x1  }
0x9a: {  	s5 =	simm.s32 $_scs_section_size  }
0x9b: {  	s6 =	simm.s32 $_size__tile_overlayer_lowered;
	s7 =	simm.s32 $_tile_overlayer_lowered  }
0x9c: {  	s22 =	simm.s32 $0x1BFF;
	s21 =	sshll.u32 s7, $0x1;
	s4 =	sadd.s32 s5, s19  }
0x9d: {  	s8 =	simm.s32 $0x0;
	s20 =	sshll.u32 s6, $0x1;
	s6 =	sadd.s32 s21, s4  }
0x9e: {  	[timem:s8], [sflag:s22] =	dma.local [hbm:s6], s20  }
0x9f: {  	_ =	swait.ge [sflag:s22], s20  }
0xa0: {  	s5 =	ssub.s32 $0x0, s20;
	[sflag:s22] =	ssyncset.done $0x0  }
0xa1: {  	[sflag:s22] =	ssyncadd.s32 s5;
	_ =	sdelay $0x1  }
0xa2: {  	s23 =	simm.s32 $0x1B8B  }
0xa3: {  	_ =	swait.ge [sflag:s23], $0x1  }
0xa4: {  	[sflag:s23] =	ssyncset.done $0x0  }
0xa5: {  	s25 =	simm.s32 $0x1B8E;
	s24 =	sld [smem:$0x3FFE];
	[sflag:s23] =	ssyncadd.s32 $0xFFFFFFFF  }
0xa6: {  	s26 =	simm.s32 $execute0_lowered;
	[smem:$0x3FD2] =	sst s25  }
0xa7: {  	s6 =	sshll.u32 s26, $0x1;
	_ =	strace $0x80000046;
	[dreg:$0x1] =	wrdreg $0xFFFFFFFF  }
0xa8: {  	s28 =	simm.s32 $_size_execute0_lowered;
	s4 =	sadd.s32 s4, s6;
	[dreg:$0x0] =	wrdreg $0x0  }
0xa9: {  	s6 =	sshll.u32 s28, $0x1;
	[dreg:$0x2] =	wrdreg s4  }
0xaa: {  	[dreg:$0x3] =	wrdreg s6  }
0xab: {  	[dreg:$0x4] =	wrdreg $0xC0  }
0xac: {  	_ =	task [dreg:s8], $0x5FFFF  }
0xad: {  	[dreg:$0x1] =	wrdreg $0xFFFFFFFF  }
0xae: {  	[dreg:$0x0] =	wrdreg $0x60  }
0xaf: {  	[dreg:$0x2] =	wrdreg s2  }
0xb0: {  	[dreg:$0x3] =	wrdreg s18  }
0xb1: {  	[dreg:$0x4] =	wrdreg s24  }
0xb2: {  	[dreg:$0x5] =	wrdreg $0x0  }
0xb3: {  	[dreg:$0x6] =	wrdreg $0x9  }
0xb4: {  	_ =	task.clear_ibuf [dreg:s8], $0x7FFFF;
	_ =	strace $0x90000046  }
0xb5: {  	s29 =	simm.s32 $0x9;
	_ =	strace $0x80000048  }
0xb6: {  	_ =	swait.ge [sflag:s29], $0x1  }
0xb7: {  	[sflag:s29] =	ssyncadd.s32 $0xFFFFFFFF  }
0xb8: {  	_ =	strace $0x90000048  }
0xb9: {  	_ =	sfence  }
0xba: {  	s30 =	sld [smem:$0x0];
	_ =	sdelay $0x2  }
0xbb: {  	s31 =	sshll.u32 s1, $0xD;
	s1 =	sshrl.u32 s1, $0x2  }
0xbc: {  	s3 =	sand.u32 $0x4000, s31;
	s1 =	sadd.s32 s1, s30  }
0xbd: {  	s0 =	sor.u32 s3, s0;
	s1 =	sshll.u32 s1, $0x11  }
0xbe: {  	s0 =	sor.u32 s1, s0  }
0xbf: {  	s0 =	sadd.s32 $0x8F2B, s0  }
0xc0: {  	[sflag:s0] =	ssyncadd.remote.s32 $0x1  }
0xc1: {  	_ =	sfence.sel $0xFFFF  }
0xc2: {  	[dreg:$0x0] =	wrdreg $0xFFFFFFFF;
	(pc) =	sbr.abs _section_cstart, $3  }
0xc3: {  	[dreg:$0x1] =	wrdreg $0xFFFFFFFF  }
0xc4: {  	_ =	task.clear_ibuf [dreg:s8], $0x2FFFF;
	_ =	strace $0x9FFFFFFF  }
0xc5: {  	(tm) =	ssettm $0x7FFFFFFF  }
tec
execute0_lowered:
.L_overlay_start_1:
0x0: {  	(tag) =	ssettag $0x1  }
0x1: {  	s0 =	rddreg [dreg:$0x0]  }
0x2: {  	s1 =	rddreg [dreg:$0x1]  }
0x3: {  	s4 =	rddreg [dreg:$0x2]  }
0x4: {  	s2 =	srdreg.scid;
	s13 =	stileid.u32  }
0x5: {  	s28 =	simm.s32 $0x8;
	s29 =	simm.s32 $0x7;
	s6 =	smul.u32 $0x2710, s13  }
0x6: {  	s30 =	simm.s32 $0x1;
	s31 =	simm.s32 $0x80;
	s12 =	smul.u32 $0x4E200, s13  }
0x7: {  	s5 =	sand.u32 $0x1, s2;
	s3 =	sshll.u32 s13, $0x1;
	s19 =	smul.u32 $0x4E00, s13  }
0x8: {  	s2 =	rddreg [dreg:$0x3];
	s7 =	smul.u32 $0x27100, s5;
	s8 =	sor.u32 s5, s3  }
0x9: {  	s3 =	simm.s32 $0x0;
	s10 =	ssub.s32 $0x2, s5;
	s5 =	smul.u32 $0x2700, s5  }
0xa: {  	p0 =	sgt.u32 s13, $0x1;
	s9 =	smul.u32 $0x2700, s8;
	[smem:$0x7FF] =	sst s3  }
0xb: {  	s11 =	smul.u32 $0x27000, s8;
	s26 =	sshrl.u32 s10, $0x1;
	s15 =	sshrl.u32 s12, $0x2  }
0xc: {  	s23 =	sshll.u32 s8, $0xB;
	s8 =	sshll.u32 s8, $0x4;
	s6 =	sadd.s32 s6, s7  }
0xd: {  	_ =	strace $0x80000047;
	s7 =	ssub.s32 s10, s26;
	s8 =	sadd.s32 s8, s1  }
0xe: {  	s5 =	sadd.s32 s5, s19;
	s4 =	sadd.s32 s6, s4;
	s11 =	sadd.s32 s0, s11  }
0xf: {  	s14 =	sshrl.u32 s9, $0x3;
	s6 =	sadd.s32 s15, s2;
	s8 =	sadd.s32 $0x13840, s8  }
0x10: {  	s25 =	sadd.s32 $0x4E500, s5;
	s5 =	sshll.u32 s5, $0x4;
	[dreg:$0x5] =	wrdreg s11  }
0x11: {  	s15 =	smax.u32 s7, $0x1;
	s10 =	sadd.s32 $0x800, s11;
	[dreg:$0xd] =	wrdreg s8  }
0x12: {  	s7 =	simm.s32 $0x6;
	s18 =	sadd.s32 $0x3E80, s6;
	[dreg:$0x6] =	wrdreg s10  }
0x13: {  	s16 =	sadd.s32 s1, s14;
	s20 =	sadd.s32 $0x7D00, s6;
	[dreg:$0x8] =	wrdreg s18  }
0x14: {  	s21 =	sadd.s32 $0xBB80, s6;
	s22 =	sadd.s32 $0xFA00, s6;
	[dreg:$0x9] =	wrdreg s20  }
0x15: {  	s4 =	sadd.s32 $0x1600, s4;
	s26 =	sshrl.u32 s25, $0x3;
	[dreg:$0xa] =	wrdreg s21  }
0x16: {  	s25 =	simm.s32 $0x3;
	s8 =	simm.s32 $0x0;
	[dreg:$0xb] =	wrdreg s22  }
0x17: {  	s17 =	sadd.s32 $0x9C40, s16;
	s10 =	sadd.s32 s23, s0;
	[dreg:$0xe] =	wrdreg s4  }
0x18: {  	s11 =	sadd.s32 s26, s1;
	s0 =	sadd.s32 s0, s5;
	s23 =	simm.s32 $0x13E80  }
.Ltmp0:
0x19: {  	s26 =	simm.s32 $0x1BE80;
	s1 =	simm.s32 $0x2;
	(pc) =	sbr.rel .LBB2_1-.Ltmp0, $4  }
0x1a: {  	s5 =	simm.s32 $0x5;
	[dreg:$0x7] =	wrdreg s17;
	s24 =	sadd.s32 $0x4E0000, s10  }
0x1b: {  	s17 =	sadd.s32 $0x3800, s0;
	s18 =	sadd.s32 $0x3000, s0;
	s19 =	sadd.s32 $0x2800, s0  }
0x1c: {  	s20 =	sadd.s32 $0x2000, s0;
	s21 =	sadd.s32 $0x1800, s0;
	s22 =	sadd.s32 $0x1000, s0  }
0x1d: {  	v0 =	vimm.f32 $0.0e+00;
	s0 =	simm.s32 $0x4;
	[dreg:$0xc] =	wrdreg s24;
	s24 =	simm.s32 $0x17E80  }
.LBB2_6:
0x1e: {  	_ =	swait.ge [sflag:s25], $0x4000  }
0x1f: {  	[sflag:s25] =	ssyncset.done $0x0  }
0x20: {  	[sflag:s25] =	ssyncadd.s32 $0xFFFFC000  }
0x21: {  	[spmem:s2] =	stream.indirect.scatter.add.f32 [tilespmem:s26], [sflag:$0x6], $0x80, s12, s31, $0xb8;
	[tilespmem:$0x1FE80] =	vst v63  }
0x22: {  	_ =	swait.ge [sflag:s0], $0x4000  }
0x23: {  	[sflag:s0] =	ssyncset.done $0x0  }
0x24: {  	[sflag:s0] =	ssyncadd.s32 $0xFFFFC000  }
0x25: {  	_ =	swait.ge [sflag:s5], $0x4000  }
0x26: {  	[sflag:s5] =	ssyncset.done $0x0  }
0x27: {  	[sflag:s5] =	ssyncadd.s32 $0xFFFFC000  }
0x28: {  	_ =	swait.ge [sflag:s7], $0x4000  }
0x29: {  	s4 =	simm.s32 @!p0 $0x0;
	[sflag:s7] =	ssyncset.done $0x0  }
0x2a: {  	s9 =	simm.s32 @!p0 $0x13E80;
	s10 =	rddreg [dreg:$0xc];
	[sflag:s7] =	ssyncadd.s32 $0xFFFFC000  }
0x2b: {  	[tilespmem:s9], [sflag:$0x8] =	stream.linear.gather @!p0 [hbm4b:s10+s4], $0x4000, $0x38;
	[tilespmem:$0x1FE80] =	vst v63  }
0x2c: {  	s10 =	simm.s32 @!p0 $0x8  }
0x2d: {  	_ =	swait.ge @!p0 [sflag:s10], $0x4000  }
0x2e: {  	[sflag:s10] =	ssyncset.done @!p0 $0x0  }
0x2f: {  	s12 =	simm.s32 @!p0 $0x13880;
	s13 =	rddreg [dreg:$0xd];
	[sflag:s10] =	ssyncadd.s32 @!p0 $0xFFFFC000  }
0x30: {  	[tilespmem:s12], [sflag:$0x8] =	stream.linear.gather @!p0 [hbm4b:s13+s4], $0x80, $0x38;
	[tilespmem:$0x1FE80] =	vst v63  }
0x31: {  	_ =	swait.ge @!p0 [sflag:s10], $0x80  }
0x32: {  	[sflag:s10] =	ssyncset.done @!p0 $0x0  }
0x33: {  	s4 =	simm.s32 @!p0 $0x80;
	[sflag:s10] =	ssyncadd.s32 @!p0 $0xFFFFFF80  }
0x34: {  	[spmem:s2] =	stream.indirect.scatter.add.f32 @!p0 [tilespmem:s9], [sflag:$0x4], $0x80, s12, s4, $0xb8;
	[tilespmem:$0x1FE80] =	vst v63  }
0x35: {  	s4 =	simm.s32 @!p0 $0x4  }
0x36: {  	_ =	swait.ge @!p0 [sflag:s4], $0x4000  }
0x37: {  	s14 =	sshrl.u32 s6, $0x3;
	[sflag:s4] =	ssyncset.done @!p0 $0x0  }
0x38: {  	s8 =	sadd.s32 $0x1, s8;
	s13 =	stileid.u32;
	[sflag:s4] =	ssyncadd.s32 @!p0 $0xFFFFC000  }
0x39: {  	p1 =	sne.s32 s8, s15;
	s4 =	sshll.u32 s13, $0x6;
	[bflag:$0x0] =	sbarrier.arrive $0xFFFF  }
.Ltmp1:
0x3a: {  	s4 =	sor.u32 $0x1C08, s4;
	s16 =	rddreg [dreg:$0xe];
	(pc) =	sbr.rel @!p1 .LBB2_7-.Ltmp1, $4  }
0x3b: {  	[hbm:s16], [sflag:s4] =	dma.local [spmem:s14], $0x2710  }
0x3c: {  	_ =	swait.ge [sflag:s28], $0x2710  }
0x3d: {  	[sflag:s28] =	ssyncset.done $0x0  }
0x3e: {  	[sflag:s28] =	ssyncadd.s32 $0xFFFFD8F0  }
.LBB2_1:
0x3f: {  	s4 =	rddreg [dreg:$0x5]  }
0x40: {  	s12 =	rddreg [dreg:$0x6]  }
0x41: {  	[tilespmem:s23], [sflag:$0x1] =	stream.linear.gather [hbm4b:s4+s3], $0x4000, $0x38;
	[tilespmem:$0x1FE80] =	vst v63  }
0x42: {  	s13 =	rddreg [dreg:$0x7];
	s14 =	sand.u32 $0xFE00, s3  }
0x43: {  	[tilespmem:s24], [sflag:$0x2] =	stream.linear.gather [hbm4b:s12+s3], $0x4000, $0x38;
	[tilespmem:$0x1FE80] =	vst v63  }
0x44: {  	s9 =	simm.s32 $0x13880;
	s16 =	sand.u32 $0x70, s3;
	s10 =	sshrl.u32 s14, $0x2  }
0x45: {  	[tilespmem:s9], [sflag:$0x7] =	stream.linear.gather [hbm4b:s13+s3], $0x300, $0x38;
	[tilespmem:$0x1FE80] =	vst v63  }
0x46: {  	s4 =	simm.s32 $0x40;
	s10 =	sor.u32 s16, s10;
	s9 =	simm.s32 $0x0  }
.LBB2_2:
0x47: {  	p1 =	sne.s32 s4, $0xF9C0  }
0x48: {  	[tilespmem:s10+$0x1BE80] =	vst v0;
	s9 =	sadd.s32 $0x10, s9;
	s10 =	smov.u32 s4;
	s4 =	sadd.s32 $0x40, s4  }
.Ltmp2:
0x49: {  	(pc) =	sbr.rel @p1 .LBB2_2-.Ltmp2, $4  }
0x4a: {  	_ = 	snop  }
0x4b: {  	s10 =	sand.u32 $0xFE00, s10  }
0x4c: {  	s12 =	sand.u32 $0x70, s9;
	s10 =	sshrl.u32 s10, $0x2  }
0x4d: {  	s10 =	sor.u32 s12, s10  }
0x4e: {  	[tilespmem:s10+$0x1BE80] =	vst v0  }
0x4f: {  	[spmem:s6] =	stream.linear.scatter [tilespmem:s26], [sflag:$0x8], $0x3E80, $0x38;
	[tilespmem:$0x1FE80] =	vst v63  }
0x50: {  	_ =	swait.ge [sflag:s28], $0x3E80  }
0x51: {  	[sflag:s28] =	ssyncset.done $0x0  }
0x52: {  	s4 =	rddreg [dreg:$0x8];
	[sflag:s28] =	ssyncadd.s32 $0xFFFFC180  }
0x53: {  	[spmem:s4] =	stream.linear.scatter [tilespmem:s26], [sflag:$0x8], $0x3E80, $0x38;
	[tilespmem:$0x1FE80] =	vst v63  }
0x54: {  	_ =	swait.ge [sflag:s28], $0x3E80  }
0x55: {  	[sflag:s28] =	ssyncset.done $0x0  }
0x56: {  	s13 =	rddreg [dreg:$0x9];
	[sflag:s28] =	ssyncadd.s32 $0xFFFFC180  }
0x57: {  	[spmem:s13] =	stream.linear.scatter [tilespmem:s26], [sflag:$0x8], $0x3E80, $0x38;
	[tilespmem:$0x1FE80] =	vst v63  }
0x58: {  	_ =	swait.ge [sflag:s28], $0x3E80  }
0x59: {  	[sflag:s28] =	ssyncset.done $0x0  }
0x5a: {  	s14 =	rddreg [dreg:$0xa];
	[sflag:s28] =	ssyncadd.s32 $0xFFFFC180  }
0x5b: {  	[spmem:s14] =	stream.linear.scatter [tilespmem:s26], [sflag:$0x8], $0x3E80, $0x38;
	[tilespmem:$0x1FE80] =	vst v63  }
0x5c: {  	_ =	swait.ge [sflag:s28], $0x3E80  }
0x5d: {  	[sflag:s28] =	ssyncset.done $0x0  }
0x5e: {  	s16 =	rddreg [dreg:$0xb];
	[sflag:s28] =	ssyncadd.s32 $0xFFFFC180  }
0x5f: {  	[spmem:s16] =	stream.linear.scatter [tilespmem:s26], [sflag:$0x8], $0x3E80, $0x38;
	[tilespmem:$0x1FE80] =	vst v63  }
0x60: {  	_ =	swait.ge [sflag:s28], $0x3E80  }
0x61: {  	[sflag:s28] =	ssyncset.done $0x0  }
0x62: {  	[sflag:s28] =	ssyncadd.s32 $0xFFFFC180  }
0x63: {  	_ =	swait.ge [sflag:s29], $0x300  }
0x64: {  	[sflag:s29] =	ssyncset.done $0x0  }
0x65: {  	s9 =	simm.s32 $0x0;
	s10 =	simm.s32 $0xFFFFFFFF;
	[sflag:s29] =	ssyncadd.s32 $0xFFFFFD00  }
0x66: {  	s4 =	simm.s32 $0x1;
	s16 =	smov.u32 s11;
	[bflag:$0x0] =	sbarrier.arrive $0xFFFF  }
.LBB2_4:
0x67: {  	p1 =	seq.s32 s9, $0x0  }
0x68: {  	s12 =	simm.s32 @!p1 $0x7  }
0x69: {  	_ =	swait.ge @!p1 [sflag:s12], $0x300  }
0x6a: {  	s13 =	sadd.s32 $0xFFFFFFFF, s4;
	[sflag:s12] =	ssyncset.done @!p1 $0x0  }
0x6b: {  	s13 =	sand.u32 $0x1, s13;
	[sflag:s12] =	ssyncadd.s32 @!p1 $0xFFFFFD00  }
0x6c: {  	p1 =	seq.s32 s13, $0x1;
	s12 =	simm.s32 $0x300;
	_ =	swait.ge [sflag:s30], $0x4000  }
0x6d: {  	s12 =	simm.s32 @!p1 $0x0;
	p1 =	sgt.u32 s10, $0x4A;
	[sflag:s30] =	ssyncset.done $0x0  }
0x6e: {  	s14 =	sor.u32 $0x13880, s12;
	s13 =	simm.s32 @!p1 $0x6;
	[sflag:s30] =	ssyncadd.s32 $0xFFFFC000  }
0x6f: {  	[spmem:s2] =	stream.indirect.scatter.add.f32 [tilespmem:s23], [sflag:$0x4], $0x80, s14, s31, $0xb8;
	[tilespmem:$0x1FE80] =	vst v63  }
0x70: {  	_ =	swait.ge @!p1 [sflag:s13], $0x4000  }
0x71: {  	[sflag:s13] =	ssyncset.done @!p1 $0x0  }
0x72: {  	s14 =	sadd.s32 s9, s22;
	[sflag:s13] =	ssyncadd.s32 @!p1 $0xFFFFC000;
	p1 =	seq.s32 s9, $0x24000  }
0x73: {  	[tilespmem:s26], [sflag:$0x3] =	stream.linear.gather [hbm4b:s14+s3], $0x4000, $0x38;
	[tilespmem:$0x1FE80] =	vst v63  }
0x74: {  	s13 =	sand.u32 @!p1 $0x1, s4  }
0x75: {  	p2 =	seq.s32 @!p1 s13, $0x1  }
0x76: {  	s13 =	simm.s32 @!p1 $0x13B80;
	p2 =	por !p2, p1  }
0x77: {  	s14 =	simm.s32 @!p1 $0x0;
	s13 =	simm.s32 @p2 $0x13880  }
0x78: {  	[tilespmem:s13], [sflag:$0x7] =	stream.linear.gather @!p1 [hbm4b:s16+s14], $0x300, $0x38;
	[tilespmem:$0x1FE80] =	vst v63  }
0x79: {  	_ =	swait.ge [sflag:s1], $0x4000  }
0x7a: {  	[sflag:s1] =	ssyncset.done $0x0  }
0x7b: {  	s14 =	sadd.s32 $0x13900, s12;
	[sflag:s1] =	ssyncadd.s32 $0xFFFFC000  }
0x7c: {  	[spmem:s2] =	stream.indirect.scatter.add.f32 [tilespmem:s24], [sflag:$0x5], $0x80, s14, s31, $0xb8;
	[tilespmem:$0x1FE80] =	vst v63  }
0x7d: {  	_ =	swait.ge [sflag:s0], $0x4000  }
0x7e: {  	[sflag:s0] =	ssyncset.done $0x0  }
0x7f: {  	s14 =	sadd.s32 s9, s21;
	[sflag:s0] =	ssyncadd.s32 $0xFFFFC000  }
0x80: {  	[tilespmem:s23], [sflag:$0x1] =	stream.linear.gather [hbm4b:s14+s3], $0x4000, $0x38;
	[tilespmem:$0x1FE80] =	vst v63  }
0x81: {  	_ =	swait.ge [sflag:s25], $0x4000  }
0x82: {  	[sflag:s25] =	ssyncset.done $0x0  }
0x83: {  	s14 =	sadd.s32 $0x13980, s12;
	[sflag:s25] =	ssyncadd.s32 $0xFFFFC000  }
0x84: {  	[spmem:s2] =	stream.indirect.scatter.add.f32 [tilespmem:s26], [sflag:$0x6], $0x80, s14, s31, $0xb8;
	[tilespmem:$0x1FE80] =	vst v63  }
0x85: {  	_ =	swait.ge [sflag:s5], $0x4000  }
0x86: {  	[sflag:s5] =	ssyncset.done $0x0  }
0x87: {  	s14 =	sadd.s32 s9, s20;
	[sflag:s5] =	ssyncadd.s32 $0xFFFFC000  }
0x88: {  	[tilespmem:s24], [sflag:$0x2] =	stream.linear.gather [hbm4b:s14+s3], $0x4000, $0x38;
	[tilespmem:$0x1FE80] =	vst v63  }
0x89: {  	_ =	swait.ge [sflag:s30], $0x4000  }
0x8a: {  	[sflag:s30] =	ssyncset.done $0x0  }
0x8b: {  	s14 =	sadd.s32 $0x13A00, s12;
	[sflag:s30] =	ssyncadd.s32 $0xFFFFC000  }
0x8c: {  	[spmem:s2] =	stream.indirect.scatter.add.f32 [tilespmem:s23], [sflag:$0x4], $0x80, s14, s31, $0xb8;
	[tilespmem:$0x1FE80] =	vst v63  }
0x8d: {  	_ =	swait.ge [sflag:s7], $0x4000  }
0x8e: {  	[sflag:s7] =	ssyncset.done $0x0  }
0x8f: {  	s14 =	sadd.s32 s9, s19;
	[sflag:s7] =	ssyncadd.s32 $0xFFFFC000  }
0x90: {  	[tilespmem:s26], [sflag:$0x3] =	stream.linear.gather [hbm4b:s14+s3], $0x4000, $0x38;
	[tilespmem:$0x1FE80] =	vst v63  }
.Ltmp3:
0x91: {  	_ = 	snop;
	(pc) =	sbr.rel @p1 .LBB2_6-.Ltmp3, $4  }
0x92: {  	_ =	swait.ge [sflag:s1], $0x4000  }
0x93: {  	[sflag:s1] =	ssyncset.done $0x0  }
0x94: {  	s14 =	sadd.s32 $0x13A80, s12;
	s12 =	sadd.s32 $0x13B00, s12;
	[sflag:s1] =	ssyncadd.s32 $0xFFFFC000  }
0x95: {  	[spmem:s2] =	stream.indirect.scatter.add.f32 [tilespmem:s24], [sflag:$0x5], $0x80, s14, s31, $0xb8;
	[tilespmem:$0x1FE80] =	vst v63  }
0x96: {  	_ =	swait.ge [sflag:s0], $0x4000  }
0x97: {  	[sflag:s0] =	ssyncset.done $0x0  }
0x98: {  	s13 =	sadd.s32 s9, s18;
	[sflag:s0] =	ssyncadd.s32 $0xFFFFC000  }
0x99: {  	[tilespmem:s23], [sflag:$0x1] =	stream.linear.gather [hbm4b:s13+s3], $0x4000, $0x38;
	[tilespmem:$0x1FE80] =	vst v63  }
0x9a: {  	_ =	swait.ge [sflag:s25], $0x4000  }
0x9b: {  	[sflag:s25] =	ssyncset.done $0x0  }
0x9c: {  	[sflag:s25] =	ssyncadd.s32 $0xFFFFC000  }
0x9d: {  	[spmem:s2] =	stream.indirect.scatter.add.f32 [tilespmem:s26], [sflag:$0x6], $0x80, s12, s31, $0xb8;
	[tilespmem:$0x1FE80] =	vst v63  }
.Ltmp4:
0x9e: {  	_ = 	snop;
	(pc) =	sbr.rel .LBB2_4-.Ltmp4, $4  }
0x9f: {  	s14 =	sadd.s32 s9, s17;
	_ =	swait.ge [sflag:s5], $0x4000  }
0xa0: {  	s4 =	sadd.s32 $0x1, s4;
	s16 =	sadd.s32 $0x60, s16;
	[sflag:s5] =	ssyncset.done $0x0  }
0xa1: {  	s9 =	sadd.s32 $0x3000, s9;
	s10 =	sadd.s32 $0x6, s10;
	[sflag:s5] =	ssyncadd.s32 $0xFFFFC000  }
0xa2: {  	[tilespmem:s24], [sflag:$0x2] =	stream.linear.gather [hbm4b:s14+s3], $0x4000, $0x38;
	[tilespmem:$0x1FE80] =	vst v63  }
.LBB2_7:
0xa3: {  	_ =	sfence.sel $0x180000  }
0xa4: {  	[bflag:$0x0] =	sbarrier.arrive $0xFFFF  }
0xa5: {  	_ =	strace $0x90000047  }
0xa6: {  	s0 =	stileid.u32;
	[bflag:$0x2] =	sbarrier.arrive $0xFFFF  }
0xa7: {  	p0 =	sne.s32 s0, $0x0;
	s0 =	rddreg [dreg:$0x4]  }
0xa8: {  	s0 =	sadd.s32 @!p0 $0x100000, s0  }
0xa9: {  	[sflag:s0] =	ssyncadd.tile.s32 @!p0 $0x1;
	_ =	shalt  }
.Lfunc_end2:
_tile_overlayer_lowered:
.L_overlay_start_2:
0xaa: {  	(tag) =	ssettag $0x2  }
0xab: {  	s0 =	rddreg [dreg:$0x0];
	s2 =	stileid.u32  }
0xac: {  	s1 =	rddreg [dreg:$0x1];
	p0 =	sne.s32 s2, $0x0  }
0xad: {  	s3 =	rddreg [dreg:$0x2];
	[bflag:$0x3] =	sbarrier.arrive $0xFFFF;
	s2 =	simm.s32 @!p0 $0x1C08  }
0xae: {  	[timem:s3], [sflag:s2] =	dma.local @!p0 [hbm:s0], s1  }
0xaf: {  	s0 =	simm.s32 @!p0 $0x8  }
0xb0: {  	_ =	swait.ge @!p0 [sflag:s0], s1  }
0xb1: {  	s1 =	ssub.s32 @!p0 $0x0, s1;
	[sflag:s0] =	ssyncset.done @!p0 $0x0  }
0xb2: {  	[sflag:s0] =	ssyncadd.s32 @!p0 s1  }
0xb3: {  	[bflag:$0x3] =	sbarrier.arrive $0xFFFF  }
0xb4: {  	_ =	shalt  }

</sc_bundles>
